<compile_context>
chip_gen: v7x
topology: tpu7x:2x2x1
jax: 0.10.2.dev20260603
libtpu: 0.0.44.dev20260713+nightly
codegen_flags: <defaults>
</compile_context>

<pallas_src>
import jax
import jax.numpy as jnp
from jax import lax
from jax.experimental import pallas as pl
from jax.experimental.pallas import tpu as pltpu
from jax.experimental.pallas import tpu_sc as plsc

D_MODEL = 768
N_TOKENS = 4 * 2048
NC = 2
NS = 16
NW = NC * NS
B_PER_W = N_TOKENS // NW
CHUNK = 32
N_CHUNKS = B_PER_W // CHUNK
N_BUF = 5
W_PER_ROW = 2048 // B_PER_W


def _embed_kernel(tokens_hbm, table_hbm, out_hbm, idx_v, rows_v, gsem, osem):
  wid = lax.axis_index("s") * NC + lax.axis_index("c")
  base = wid * B_PER_W
  pltpu.sync_copy(
      tokens_hbm.at[wid // W_PER_ROW,
                    pl.ds((wid % W_PER_ROW) * B_PER_W, B_PER_W)], idx_v)

  def gather(c):
    pltpu.async_copy(table_hbm.at[idx_v.at[pl.ds(c * CHUNK, CHUNK)]],
                     rows_v.at[c % N_BUF], gsem)

  def out_slice(c):
    return out_hbm.at[pl.ds(base + c * CHUNK, CHUNK)]

  for c in range(min(N_BUF - 1, N_CHUNKS)):
    gather(c)
  for c in range(N_CHUNKS):
    buf = c % N_BUF
    pltpu.make_async_copy(table_hbm.at[idx_v.at[pl.ds(c * CHUNK, CHUNK)]],
                          rows_v.at[buf], gsem).wait()
    n = c + N_BUF - 1
    if n < N_CHUNKS:
      if n >= N_BUF:
        pc = n - N_BUF
        pltpu.make_async_copy(rows_v.at[pc % N_BUF], out_slice(pc),
                              osem.at[pc % N_BUF]).wait()
      gather(n)
    pltpu.async_copy(rows_v.at[buf], out_slice(c), osem.at[buf])
  for c in range(max(0, N_CHUNKS - N_BUF), N_CHUNKS):
    pltpu.make_async_copy(rows_v.at[c % N_BUF], out_slice(c),
                          osem.at[c % N_BUF]).wait()


@jax.jit
def _embed(tokens, W_E):
  mesh = plsc.VectorSubcoreMesh(core_axis_name="c", subcore_axis_name="s")
  return pl.kernel(
      _embed_kernel,
      out_type=jax.ShapeDtypeStruct((N_TOKENS, D_MODEL), jnp.float32),
      mesh=mesh,
      scratch_types=[
          pltpu.VMEM((B_PER_W,), jnp.int32),
          pltpu.VMEM((N_BUF, CHUNK, D_MODEL), jnp.float32),
          pltpu.SemaphoreType.DMA,
          pltpu.SemaphoreType.DMA((N_BUF,)),
      ],
  )(tokens, W_E)


def kernel(tokens, W_E):
  out = _embed(tokens.astype(jnp.int32), W_E)
  return out.reshape(tokens.shape + (D_MODEL,))

# --- scband reference (transcript-rebuilt; emitter-appended) ---
"""Pipeline reference for scband-embed-4913442587339 (READ-ONLY COPY).

The authoritative reference and input builder live on the scoring server;
editing this copy changes nothing except your own understanding.
"""

import jax, jax.numpy as jnp
import numpy as np

D_VOCAB = 50257
D_MODEL = 768
BATCH = 4
SEQ = 2048

def setup_inputs(seed: int = 0) -> dict:
    key = jax.random.key(seed)
    k1, k2 = jax.random.split(key)
    tokens = jax.random.randint(k1, (BATCH, SEQ), 0, D_VOCAB, dtype=jnp.int64 if jax.config.jax_enable_x64 else jnp.int32)
    W_E = jax.random.normal(k2, (D_VOCAB, D_MODEL), dtype=jnp.float32) * 0.02
    return {"tokens": tokens, "W_E": W_E}

def reference(tokens, W_E):
    # Embed.forward: self.W_E[tokens]
    return jnp.take(W_E, tokens, axis=0)

if __name__ == "__main__":
    import jax
    _d = setup_inputs()
    print(jax.jit(kernel)(*tuple(_d.values())))

</pallas_src>

<mosaic_0001>
#map = affine_map<(d0, d1) -> (0, 0)>
module attributes {stable_mosaic.version = 14 : i64} {
  func.func @_embed_kernel(%arg0: i32, %arg1: i32, %arg2: memref<4x2048xi32, #tpu.memory_space<hbm>>, %arg3: memref<50257x768xf32, #tpu.memory_space<hbm>>, %arg4: memref<8192x768xf32, #tpu.memory_space<hbm>>, %arg5: memref<256xi32, #tpu.memory_space<vmem>>, %arg6: memref<5x32x768xf32, #tpu.memory_space<vmem>>, %arg7: memref<!tpu.dma_semaphore, #tpu.memory_space<semaphore_mem>>, %arg8: memref<5x!tpu.dma_semaphore, #tpu.memory_space<semaphore_mem>>) attributes {dimension_semantics = [#tpu.dimension_semantics<core_parallel>, #tpu.dimension_semantics<subcore_parallel>], iteration_bounds = array<i64: 2, 16>, scalar_prefetch = 0 : i64, scratch_operands = 4 : i64, tpu.core_type = #tpu.core_type<sc_vector_subcore>, window_params = [{transform_indices = #map}, {transform_indices = #map}, {transform_indices = #map}]} {
    %mul3A = arith.constant 2 : i32
    %mul3A_0 = arith.muli %arg1, %mul3A : i32
    %add3A = arith.addi %mul3A_0, %arg0 : i32
    %mul3A_1 = arith.constant 256 : i32
    %mul3A_2 = arith.muli %add3A, %mul3A_1 : i32
    %jit3A = arith.constant 8 : i32
    %div3A = arith.divsi %add3A, %jit3A : i32
    %sign3A = arith.constant 0 : i32
    %sign3A_3 = arith.cmpi sgt, %add3A, %sign3A : i32
    %sign3A_4 = arith.extui %sign3A_3 : i1 to i32
    %sign3A_5 = arith.constant 0 : i32
    %sign3A_6 = arith.cmpi slt, %add3A, %sign3A_5 : i32
    %sign3A_7 = arith.extui %sign3A_6 : i1 to i32
    %sign3A_8 = arith.subi %sign3A_4, %sign3A_7 : i32
    %sign3A_9 = arith.constant 0 : i32
    %sign3A_10 = arith.cmpi sgt, %jit3A, %sign3A_9 : i32
    %sign3A_11 = arith.extui %sign3A_10 : i1 to i32
    %sign3A_12 = arith.constant 0 : i32
    %sign3A_13 = arith.cmpi slt, %jit3A, %sign3A_12 : i32
    %sign3A_14 = arith.extui %sign3A_13 : i1 to i32
    %sign3A_15 = arith.subi %sign3A_11, %sign3A_14 : i32
    %ne3A = arith.cmpi ne, %sign3A_8, %sign3A_15 : i32
    %rem3A = arith.remsi %add3A, %jit3A : i32
    %ne3A_16 = arith.constant 0 : i32
    %ne3A_17 = arith.cmpi ne, %rem3A, %ne3A_16 : i32
    %and3A = arith.andi %ne3A, %ne3A_17 : i1
    %sub3A = arith.constant 1 : i32
    %sub3A_18 = arith.subi %div3A, %sub3A : i32
    %select_n3A = arith.select %and3A, %sub3A_18, %div3A : i32
    %jit3A_19 = arith.constant 8 : i32
    %eq3A = arith.constant 0 : i32
    %eq3A_20 = arith.cmpi eq, %jit3A_19, %eq3A : i32
    %jit3A_21 = arith.constant 1 : i32
    %select_n3A_22 = arith.select %eq3A_20, %jit3A_21, %jit3A_19 : i32
    %rem3A_23 = arith.remsi %add3A, %select_n3A_22 : i32
    %ne3A_24 = arith.constant 0 : i32
    %ne3A_25 = arith.cmpi ne, %rem3A_23, %ne3A_24 : i32
    %lt3A = arith.constant 0 : i32
    %lt3A_26 = arith.cmpi slt, %rem3A_23, %lt3A : i32
    %lt3A_27 = arith.constant 0 : i32
    %lt3A_28 = arith.cmpi slt, %select_n3A_22, %lt3A_27 : i32
    %ne3A_29 = arith.xori %lt3A_26, %lt3A_28 : i1
    %and3A_30 = arith.andi %ne3A_29, %ne3A_25 : i1
    %add3A_31 = arith.addi %rem3A_23, %select_n3A_22 : i32
    %select_n3A_32 = arith.select %and3A_30, %add3A_31, %rem3A_23 : i32
    %mul3A_33 = arith.constant 256 : i32
    %mul3A_34 = arith.muli %select_n3A_32, %mul3A_33 : i32
    "tpu.region"() ({
      %run_scoped3A = tpu.sem_alloc : memref<!tpu.dma_semaphore, #tpu.memory_space<semaphore_mem>>
      %dma_start3A_481 = tpu.memref_slice %arg2[%select_n3A, %mul3A_34] : memref<4x2048xi32, #tpu.memory_space<hbm>> -> memref<1x256xi32, #tpu.memory_space<hbm>>
      %dma_start3A_482 = tpu.memref_squeeze %dma_start3A_481 : memref<1x256xi32, #tpu.memory_space<hbm>> -> memref<256xi32, #tpu.memory_space<hbm>>
      %dma_start3A_483 = tpu.memref_slice %arg2[%select_n3A, %mul3A_34] : memref<4x2048xi32, #tpu.memory_space<hbm>> -> memref<1x256xi32, #tpu.memory_space<hbm>>
      %dma_start3A_484 = tpu.memref_squeeze %dma_start3A_483 : memref<1x256xi32, #tpu.memory_space<hbm>> -> memref<256xi32, #tpu.memory_space<hbm>>
      tpu.enqueue_dma source(%dma_start3A_484 : memref<256xi32, #tpu.memory_space<hbm>>) target(%arg5 : memref<256xi32, #tpu.memory_space<vmem>>) target_semaphore(%run_scoped3A : memref<!tpu.dma_semaphore, #tpu.memory_space<semaphore_mem>>)
      %dma_wait3A_485 = tpu.memref_slice %arg2[%select_n3A, %mul3A_34] : memref<4x2048xi32, #tpu.memory_space<hbm>> -> memref<1x256xi32, #tpu.memory_space<hbm>>
      %dma_wait3A_486 = tpu.memref_squeeze %dma_wait3A_485 : memref<1x256xi32, #tpu.memory_space<hbm>> -> memref<256xi32, #tpu.memory_space<hbm>>
      %dma_wait3A_487 = tpu.memref_slice %arg2[%select_n3A, %mul3A_34] : memref<4x2048xi32, #tpu.memory_space<hbm>> -> memref<1x256xi32, #tpu.memory_space<hbm>>
      %dma_wait3A_488 = tpu.memref_squeeze %dma_wait3A_487 : memref<1x256xi32, #tpu.memory_space<hbm>> -> memref<256xi32, #tpu.memory_space<hbm>>
      tpu.wait_dma2 semaphore(%run_scoped3A : memref<!tpu.dma_semaphore, #tpu.memory_space<semaphore_mem>>) src(%dma_wait3A_488 : memref<256xi32, #tpu.memory_space<hbm>>) dst(%arg5 : memref<256xi32, #tpu.memory_space<vmem>>)
      tpu.yield
    }) : () -> ()
    %dma_start3A = arith.constant 0 : i32
    %dma_start3A_35 = arith.constant 0 : i32
    %dma_start3A_36 = arith.constant 0 : i32
    %dma_start3A_37 = tpu.memref_slice %arg6[%dma_start3A, %dma_start3A_35, %dma_start3A_36] : memref<5x32x768xf32, #tpu.memory_space<vmem>> -> memref<1x32x768xf32, #tpu.memory_space<vmem>>
    %dma_start3A_38 = tpu.memref_squeeze %dma_start3A_37 : memref<1x32x768xf32, #tpu.memory_space<vmem>> -> memref<32x768xf32, #tpu.memory_space<vmem>>
    %dma_start3A_39 = arith.constant 0 : i32
    %dma_start3A_40 = tpu.memref_slice %arg5[%dma_start3A_39] : memref<256xi32, #tpu.memory_space<vmem>> -> memref<32xi32, #tpu.memory_space<vmem>>
    %dma_start3A_41 = arith.constant 0 : i32
    %dma_start3A_42 = arith.constant 0 : i32
    %dma_start3A_43 = tpu.memref_slice %arg3[%dma_start3A_41, %dma_start3A_42] : memref<50257x768xf32, #tpu.memory_space<hbm>> -> memref<50257x768xf32, #tpu.memory_space<hbm>>
    tpu.enqueue_indirect_dma source(%dma_start3A_43 : memref<50257x768xf32, #tpu.memory_space<hbm>>) target(%dma_start3A_38 : memref<32x768xf32, #tpu.memory_space<vmem>>) offsets(%dma_start3A_40 : memref<32xi32, #tpu.memory_space<vmem>>) semaphore(%arg7 : memref<!tpu.dma_semaphore, #tpu.memory_space<semaphore_mem>>)
    %dma_start3A_44 = arith.constant 1 : i32
    %dma_start3A_45 = arith.constant 0 : i32
    %dma_start3A_46 = arith.constant 0 : i32
    %dma_start3A_47 = tpu.memref_slice %arg6[%dma_start3A_44, %dma_start3A_45, %dma_start3A_46] : memref<5x32x768xf32, #tpu.memory_space<vmem>> -> memref<1x32x768xf32, #tpu.memory_space<vmem>>
    %dma_start3A_48 = tpu.memref_squeeze %dma_start3A_47 : memref<1x32x768xf32, #tpu.memory_space<vmem>> -> memref<32x768xf32, #tpu.memory_space<vmem>>
    %dma_start3A_49 = arith.constant 32 : i32
    %dma_start3A_50 = tpu.memref_slice %arg5[%dma_start3A_49] : memref<256xi32, #tpu.memory_space<vmem>> -> memref<32xi32, #tpu.memory_space<vmem>>
    %dma_start3A_51 = arith.constant 0 : i32
    %dma_start3A_52 = arith.constant 0 : i32
    %dma_start3A_53 = tpu.memref_slice %arg3[%dma_start3A_51, %dma_start3A_52] : memref<50257x768xf32, #tpu.memory_space<hbm>> -> memref<50257x768xf32, #tpu.memory_space<hbm>>
    tpu.enqueue_indirect_dma source(%dma_start3A_53 : memref<50257x768xf32, #tpu.memory_space<hbm>>) target(%dma_start3A_48 : memref<32x768xf32, #tpu.memory_space<vmem>>) offsets(%dma_start3A_50 : memref<32xi32, #tpu.memory_space<vmem>>) semaphore(%arg7 : memref<!tpu.dma_semaphore, #tpu.memory_space<semaphore_mem>>)
    %dma_start3A_54 = arith.constant 2 : i32
    %dma_start3A_55 = arith.constant 0 : i32
    %dma_start3A_56 = arith.constant 0 : i32
    %dma_start3A_57 = tpu.memref_slice %arg6[%dma_start3A_54, %dma_start3A_55, %dma_start3A_56] : memref<5x32x768xf32, #tpu.memory_space<vmem>> -> memref<1x32x768xf32, #tpu.memory_space<vmem>>
    %dma_start3A_58 = tpu.memref_squeeze %dma_start3A_57 : memref<1x32x768xf32, #tpu.memory_space<vmem>> -> memref<32x768xf32, #tpu.memory_space<vmem>>
    %dma_start3A_59 = arith.constant 64 : i32
    %dma_start3A_60 = tpu.memref_slice %arg5[%dma_start3A_59] : memref<256xi32, #tpu.memory_space<vmem>> -> memref<32xi32, #tpu.memory_space<vmem>>
    %dma_start3A_61 = arith.constant 0 : i32
    %dma_start3A_62 = arith.constant 0 : i32
    %dma_start3A_63 = tpu.memref_slice %arg3[%dma_start3A_61, %dma_start3A_62] : memref<50257x768xf32, #tpu.memory_space<hbm>> -> memref<50257x768xf32, #tpu.memory_space<hbm>>
    tpu.enqueue_indirect_dma source(%dma_start3A_63 : memref<50257x768xf32, #tpu.memory_space<hbm>>) target(%dma_start3A_58 : memref<32x768xf32, #tpu.memory_space<vmem>>) offsets(%dma_start3A_60 : memref<32xi32, #tpu.memory_space<vmem>>) semaphore(%arg7 : memref<!tpu.dma_semaphore, #tpu.memory_space<semaphore_mem>>)
    %dma_start3A_64 = arith.constant 3 : i32
    %dma_start3A_65 = arith.constant 0 : i32
    %dma_start3A_66 = arith.constant 0 : i32
    %dma_start3A_67 = tpu.memref_slice %arg6[%dma_start3A_64, %dma_start3A_65, %dma_start3A_66] : memref<5x32x768xf32, #tpu.memory_space<vmem>> -> memref<1x32x768xf32, #tpu.memory_space<vmem>>
    %dma_start3A_68 = tpu.memref_squeeze %dma_start3A_67 : memref<1x32x768xf32, #tpu.memory_space<vmem>> -> memref<32x768xf32, #tpu.memory_space<vmem>>
    %dma_start3A_69 = arith.constant 96 : i32
    %dma_start3A_70 = tpu.memref_slice %arg5[%dma_start3A_69] : memref<256xi32, #tpu.memory_space<vmem>> -> memref<32xi32, #tpu.memory_space<vmem>>
    %dma_start3A_71 = arith.constant 0 : i32
    %dma_start3A_72 = arith.constant 0 : i32
    %dma_start3A_73 = tpu.memref_slice %arg3[%dma_start3A_71, %dma_start3A_72] : memref<50257x768xf32, #tpu.memory_space<hbm>> -> memref<50257x768xf32, #tpu.memory_space<hbm>>
    tpu.enqueue_indirect_dma source(%dma_start3A_73 : memref<50257x768xf32, #tpu.memory_space<hbm>>) target(%dma_start3A_68 : memref<32x768xf32, #tpu.memory_space<vmem>>) offsets(%dma_start3A_70 : memref<32xi32, #tpu.memory_space<vmem>>) semaphore(%arg7 : memref<!tpu.dma_semaphore, #tpu.memory_space<semaphore_mem>>)
    %dma_wait3A = arith.constant 0 : i32
    %dma_wait3A_74 = arith.constant 0 : i32
    %dma_wait3A_75 = arith.constant 0 : i32
    %dma_wait3A_76 = tpu.memref_slice %arg6[%dma_wait3A, %dma_wait3A_74, %dma_wait3A_75] : memref<5x32x768xf32, #tpu.memory_space<vmem>> -> memref<1x32x768xf32, #tpu.memory_space<vmem>>
    %dma_wait3A_77 = tpu.memref_squeeze %dma_wait3A_76 : memref<1x32x768xf32, #tpu.memory_space<vmem>> -> memref<32x768xf32, #tpu.memory_space<vmem>>
    %dma_wait3A_78 = arith.constant 0 : i32
    %dma_wait3A_79 = tpu.memref_slice %arg5[%dma_wait3A_78] : memref<256xi32, #tpu.memory_space<vmem>> -> memref<32xi32, #tpu.memory_space<vmem>>
    %dma_wait3A_80 = arith.constant 0 : i32
    %dma_wait3A_81 = arith.constant 0 : i32
    %dma_wait3A_82 = tpu.memref_slice %arg3[%dma_wait3A_80, %dma_wait3A_81] : memref<50257x768xf32, #tpu.memory_space<hbm>> -> memref<50257x768xf32, #tpu.memory_space<hbm>>
    tpu.wait_indirect_dma semaphore(%arg7 : memref<!tpu.dma_semaphore, #tpu.memory_space<semaphore_mem>>) src(%dma_wait3A_82 : memref<50257x768xf32, #tpu.memory_space<hbm>>) dst(%dma_wait3A_77 : memref<32x768xf32, #tpu.memory_space<vmem>>)
    %dma_start3A_83 = arith.constant 4 : i32
    %dma_start3A_84 = arith.constant 0 : i32
    %dma_start3A_85 = arith.constant 0 : i32
    %dma_start3A_86 = tpu.memref_slice %arg6[%dma_start3A_83, %dma_start3A_84, %dma_start3A_85] : memref<5x32x768xf32, #tpu.memory_space<vmem>> -> memref<1x32x768xf32, #tpu.memory_space<vmem>>
    %dma_start3A_87 = tpu.memref_squeeze %dma_start3A_86 : memref<1x32x768xf32, #tpu.memory_space<vmem>> -> memref<32x768xf32, #tpu.memory_space<vmem>>
    %dma_start3A_88 = arith.constant 128 : i32
    %dma_start3A_89 = tpu.memref_slice %arg5[%dma_start3A_88] : memref<256xi32, #tpu.memory_space<vmem>> -> memref<32xi32, #tpu.memory_space<vmem>>
    %dma_start3A_90 = arith.constant 0 : i32
    %dma_start3A_91 = arith.constant 0 : i32
    %dma_start3A_92 = tpu.memref_slice %arg3[%dma_start3A_90, %dma_start3A_91] : memref<50257x768xf32, #tpu.memory_space<hbm>> -> memref<50257x768xf32, #tpu.memory_space<hbm>>
    tpu.enqueue_indirect_dma source(%dma_start3A_92 : memref<50257x768xf32, #tpu.memory_space<hbm>>) target(%dma_start3A_87 : memref<32x768xf32, #tpu.memory_space<vmem>>) offsets(%dma_start3A_89 : memref<32xi32, #tpu.memory_space<vmem>>) semaphore(%arg7 : memref<!tpu.dma_semaphore, #tpu.memory_space<semaphore_mem>>)
    %add3A_93 = arith.constant 0 : i32
    %add3A_94 = arith.addi %mul3A_2, %add3A_93 : i32
    %dma_start3A_95 = arith.constant 0 : i32
    %dma_start3A_96 = arith.constant 0 : i32
    %dma_start3A_97 = arith.constant 0 : i32
    %dma_start3A_98 = arith.constant 0 : i32
    %dma_start3A_99 = tpu.memref_slice %arg6[%dma_start3A_95, %dma_start3A_97, %dma_start3A_98] : memref<5x32x768xf32, #tpu.memory_space<vmem>> -> memref<1x32x768xf32, #tpu.memory_space<vmem>>
    %dma_start3A_100 = tpu.memref_squeeze %dma_start3A_99 : memref<1x32x768xf32, #tpu.memory_space<vmem>> -> memref<32x768xf32, #tpu.memory_space<vmem>>
    %dma_start3A_101 = arith.constant 0 : i32
    %dma_start3A_102 = tpu.memref_slice %arg4[%add3A_94, %dma_start3A_101] : memref<8192x768xf32, #tpu.memory_space<hbm>> -> memref<32x768xf32, #tpu.memory_space<hbm>>
    %dma_start3A_103 = tpu.memref_slice %arg8[%dma_start3A_96] : memref<5x!tpu.dma_semaphore, #tpu.memory_space<semaphore_mem>> -> memref<1x!tpu.dma_semaphore, #tpu.memory_space<semaphore_mem>>
    %dma_start3A_104 = tpu.memref_squeeze %dma_start3A_103 : memref<1x!tpu.dma_semaphore, #tpu.memory_space<semaphore_mem>> -> memref<!tpu.dma_semaphore, #tpu.memory_space<semaphore_mem>>
    %dma_start3A_105 = arith.constant 0 : i32
    %dma_start3A_106 = tpu.memref_slice %arg4[%add3A_94, %dma_start3A_105] : memref<8192x768xf32, #tpu.memory_space<hbm>> -> memref<32x768xf32, #tpu.memory_space<hbm>>
    %dma_start3A_107 = arith.constant 0 : i32
    %dma_start3A_108 = arith.constant 0 : i32
    %dma_start3A_109 = tpu.memref_slice %arg6[%dma_start3A_95, %dma_start3A_107, %dma_start3A_108] : memref<5x32x768xf32, #tpu.memory_space<vmem>> -> memref<1x32x768xf32, #tpu.memory_space<vmem>>
    %dma_start3A_110 = tpu.memref_squeeze %dma_start3A_109 : memref<1x32x768xf32, #tpu.memory_space<vmem>> -> memref<32x768xf32, #tpu.memory_space<vmem>>
    tpu.enqueue_dma source(%dma_start3A_110 : memref<32x768xf32, #tpu.memory_space<vmem>>) target(%dma_start3A_106 : memref<32x768xf32, #tpu.memory_space<hbm>>) target_semaphore(%dma_start3A_104 : memref<!tpu.dma_semaphore, #tpu.memory_space<semaphore_mem>>)
    %dma_wait3A_111 = arith.constant 1 : i32
    %dma_wait3A_112 = arith.constant 0 : i32
    %dma_wait3A_113 = arith.constant 0 : i32
    %dma_wait3A_114 = tpu.memref_slice %arg6[%dma_wait3A_111, %dma_wait3A_112, %dma_wait3A_113] : memref<5x32x768xf32, #tpu.memory_space<vmem>> -> memref<1x32x768xf32, #tpu.memory_space<vmem>>
    %dma_wait3A_115 = tpu.memref_squeeze %dma_wait3A_114 : memref<1x32x768xf32, #tpu.memory_space<vmem>> -> memref<32x768xf32, #tpu.memory_space<vmem>>
    %dma_wait3A_116 = arith.constant 32 : i32
    %dma_wait3A_117 = tpu.memref_slice %arg5[%dma_wait3A_116] : memref<256xi32, #tpu.memory_space<vmem>> -> memref<32xi32, #tpu.memory_space<vmem>>
    %dma_wait3A_118 = arith.constant 0 : i32
    %dma_wait3A_119 = arith.constant 0 : i32
    %dma_wait3A_120 = tpu.memref_slice %arg3[%dma_wait3A_118, %dma_wait3A_119] : memref<50257x768xf32, #tpu.memory_space<hbm>> -> memref<50257x768xf32, #tpu.memory_space<hbm>>
    tpu.wait_indirect_dma semaphore(%arg7 : memref<!tpu.dma_semaphore, #tpu.memory_space<semaphore_mem>>) src(%dma_wait3A_120 : memref<50257x768xf32, #tpu.memory_space<hbm>>) dst(%dma_wait3A_115 : memref<32x768xf32, #tpu.memory_space<vmem>>)
    %add3A_121 = arith.constant 0 : i32
    %add3A_122 = arith.addi %mul3A_2, %add3A_121 : i32
    %dma_wait3A_123 = arith.constant 0 : i32
    %dma_wait3A_124 = arith.constant 0 : i32
    %dma_wait3A_125 = arith.constant 0 : i32
    %dma_wait3A_126 = arith.constant 0 : i32
    %dma_wait3A_127 = tpu.memref_slice %arg6[%dma_wait3A_123, %dma_wait3A_125, %dma_wait3A_126] : memref<5x32x768xf32, #tpu.memory_space<vmem>> -> memref<1x32x768xf32, #tpu.memory_space<vmem>>
    %dma_wait3A_128 = tpu.memref_squeeze %dma_wait3A_127 : memref<1x32x768xf32, #tpu.memory_space<vmem>> -> memref<32x768xf32, #tpu.memory_space<vmem>>
    %dma_wait3A_129 = arith.constant 0 : i32
    %dma_wait3A_130 = tpu.memref_slice %arg4[%add3A_122, %dma_wait3A_129] : memref<8192x768xf32, #tpu.memory_space<hbm>> -> memref<32x768xf32, #tpu.memory_space<hbm>>
    %dma_wait3A_131 = tpu.memref_slice %arg8[%dma_wait3A_124] : memref<5x!tpu.dma_semaphore, #tpu.memory_space<semaphore_mem>> -> memref<1x!tpu.dma_semaphore, #tpu.memory_space<semaphore_mem>>
    %dma_wait3A_132 = tpu.memref_squeeze %dma_wait3A_131 : memref<1x!tpu.dma_semaphore, #tpu.memory_space<semaphore_mem>> -> memref<!tpu.dma_semaphore, #tpu.memory_space<semaphore_mem>>
    %dma_wait3A_133 = arith.constant 0 : i32
    %dma_wait3A_134 = tpu.memref_slice %arg4[%add3A_122, %dma_wait3A_133] : memref<8192x768xf32, #tpu.memory_space<hbm>> -> memref<32x768xf32, #tpu.memory_space<hbm>>
    %dma_wait3A_135 = arith.constant 0 : i32
    %dma_wait3A_136 = arith.constant 0 : i32
    %dma_wait3A_137 = tpu.memref_slice %arg6[%dma_wait3A_123, %dma_wait3A_135, %dma_wait3A_136] : memref<5x32x768xf32, #tpu.memory_space<vmem>> -> memref<1x32x768xf32, #tpu.memory_space<vmem>>
    %dma_wait3A_138 = tpu.memref_squeeze %dma_wait3A_137 : memref<1x32x768xf32, #tpu.memory_space<vmem>> -> memref<32x768xf32, #tpu.memory_space<vmem>>
    tpu.wait_dma2 semaphore(%dma_wait3A_132 : memref<!tpu.dma_semaphore, #tpu.memory_space<semaphore_mem>>) src(%dma_wait3A_138 : memref<32x768xf32, #tpu.memory_space<vmem>>) dst(%dma_wait3A_134 : memref<32x768xf32, #tpu.memory_space<hbm>>)
    %dma_start3A_139 = arith.constant 0 : i32
    %dma_start3A_140 = arith.constant 0 : i32
    %dma_start3A_141 = arith.constant 0 : i32
    %dma_start3A_142 = tpu.memref_slice %arg6[%dma_start3A_139, %dma_start3A_140, %dma_start3A_141] : memref<5x32x768xf32, #tpu.memory_space<vmem>> -> memref<1x32x768xf32, #tpu.memory_space<vmem>>
    %dma_start3A_143 = tpu.memref_squeeze %dma_start3A_142 : memref<1x32x768xf32, #tpu.memory_space<vmem>> -> memref<32x768xf32, #tpu.memory_space<vmem>>
    %dma_start3A_144 = arith.constant 160 : i32
    %dma_start3A_145 = tpu.memref_slice %arg5[%dma_start3A_144] : memref<256xi32, #tpu.memory_space<vmem>> -> memref<32xi32, #tpu.memory_space<vmem>>
    %dma_start3A_146 = arith.constant 0 : i32
    %dma_start3A_147 = arith.constant 0 : i32
    %dma_start3A_148 = tpu.memref_slice %arg3[%dma_start3A_146, %dma_start3A_147] : memref<50257x768xf32, #tpu.memory_space<hbm>> -> memref<50257x768xf32, #tpu.memory_space<hbm>>
    tpu.enqueue_indirect_dma source(%dma_start3A_148 : memref<50257x768xf32, #tpu.memory_space<hbm>>) target(%dma_start3A_143 : memref<32x768xf32, #tpu.memory_space<vmem>>) offsets(%dma_start3A_145 : memref<32xi32, #tpu.memory_space<vmem>>) semaphore(%arg7 : memref<!tpu.dma_semaphore, #tpu.memory_space<semaphore_mem>>)
    %add3A_149 = arith.constant 32 : i32
    %add3A_150 = arith.addi %mul3A_2, %add3A_149 : i32
    %dma_start3A_151 = arith.constant 1 : i32
    %dma_start3A_152 = arith.constant 1 : i32
    %dma_start3A_153 = arith.constant 0 : i32
    %dma_start3A_154 = arith.constant 0 : i32
    %dma_start3A_155 = tpu.memref_slice %arg6[%dma_start3A_151, %dma_start3A_153, %dma_start3A_154] : memref<5x32x768xf32, #tpu.memory_space<vmem>> -> memref<1x32x768xf32, #tpu.memory_space<vmem>>
    %dma_start3A_156 = tpu.memref_squeeze %dma_start3A_155 : memref<1x32x768xf32, #tpu.memory_space<vmem>> -> memref<32x768xf32, #tpu.memory_space<vmem>>
    %dma_start3A_157 = arith.constant 0 : i32
    %dma_start3A_158 = tpu.memref_slice %arg4[%add3A_150, %dma_start3A_157] : memref<8192x768xf32, #tpu.memory_space<hbm>> -> memref<32x768xf32, #tpu.memory_space<hbm>>
    %dma_start3A_159 = tpu.memref_slice %arg8[%dma_start3A_152] : memref<5x!tpu.dma_semaphore, #tpu.memory_space<semaphore_mem>> -> memref<1x!tpu.dma_semaphore, #tpu.memory_space<semaphore_mem>>
    %dma_start3A_160 = tpu.memref_squeeze %dma_start3A_159 : memref<1x!tpu.dma_semaphore, #tpu.memory_space<semaphore_mem>> -> memref<!tpu.dma_semaphore, #tpu.memory_space<semaphore_mem>>
    %dma_start3A_161 = arith.constant 0 : i32
    %dma_start3A_162 = tpu.memref_slice %arg4[%add3A_150, %dma_start3A_161] : memref<8192x768xf32, #tpu.memory_space<hbm>> -> memref<32x768xf32, #tpu.memory_space<hbm>>
    %dma_start3A_163 = arith.constant 0 : i32
    %dma_start3A_164 = arith.constant 0 : i32
    %dma_start3A_165 = tpu.memref_slice %arg6[%dma_start3A_151, %dma_start3A_163, %dma_start3A_164] : memref<5x32x768xf32, #tpu.memory_space<vmem>> -> memref<1x32x768xf32, #tpu.memory_space<vmem>>
    %dma_start3A_166 = tpu.memref_squeeze %dma_start3A_165 : memref<1x32x768xf32, #tpu.memory_space<vmem>> -> memref<32x768xf32, #tpu.memory_space<vmem>>
    tpu.enqueue_dma source(%dma_start3A_166 : memref<32x768xf32, #tpu.memory_space<vmem>>) target(%dma_start3A_162 : memref<32x768xf32, #tpu.memory_space<hbm>>) target_semaphore(%dma_start3A_160 : memref<!tpu.dma_semaphore, #tpu.memory_space<semaphore_mem>>)
    %dma_wait3A_167 = arith.constant 2 : i32
    %dma_wait3A_168 = arith.constant 0 : i32
    %dma_wait3A_169 = arith.constant 0 : i32
    %dma_wait3A_170 = tpu.memref_slice %arg6[%dma_wait3A_167, %dma_wait3A_168, %dma_wait3A_169] : memref<5x32x768xf32, #tpu.memory_space<vmem>> -> memref<1x32x768xf32, #tpu.memory_space<vmem>>
    %dma_wait3A_171 = tpu.memref_squeeze %dma_wait3A_170 : memref<1x32x768xf32, #tpu.memory_space<vmem>> -> memref<32x768xf32, #tpu.memory_space<vmem>>
    %dma_wait3A_172 = arith.constant 64 : i32
    %dma_wait3A_173 = tpu.memref_slice %arg5[%dma_wait3A_172] : memref<256xi32, #tpu.memory_space<vmem>> -> memref<32xi32, #tpu.memory_space<vmem>>
    %dma_wait3A_174 = arith.constant 0 : i32
    %dma_wait3A_175 = arith.constant 0 : i32
    %dma_wait3A_176 = tpu.memref_slice %arg3[%dma_wait3A_174, %dma_wait3A_175] : memref<50257x768xf32, #tpu.memory_space<hbm>> -> memref<50257x768xf32, #tpu.memory_space<hbm>>
    tpu.wait_indirect_dma semaphore(%arg7 : memref<!tpu.dma_semaphore, #tpu.memory_space<semaphore_mem>>) src(%dma_wait3A_176 : memref<50257x768xf32, #tpu.memory_space<hbm>>) dst(%dma_wait3A_171 : memref<32x768xf32, #tpu.memory_space<vmem>>)
    %add3A_177 = arith.constant 32 : i32
    %add3A_178 = arith.addi %mul3A_2, %add3A_177 : i32
    %dma_wait3A_179 = arith.constant 1 : i32
    %dma_wait3A_180 = arith.constant 1 : i32
    %dma_wait3A_181 = arith.constant 0 : i32
    %dma_wait3A_182 = arith.constant 0 : i32
    %dma_wait3A_183 = tpu.memref_slice %arg6[%dma_wait3A_179, %dma_wait3A_181, %dma_wait3A_182] : memref<5x32x768xf32, #tpu.memory_space<vmem>> -> memref<1x32x768xf32, #tpu.memory_space<vmem>>
    %dma_wait3A_184 = tpu.memref_squeeze %dma_wait3A_183 : memref<1x32x768xf32, #tpu.memory_space<vmem>> -> memref<32x768xf32, #tpu.memory_space<vmem>>
    %dma_wait3A_185 = arith.constant 0 : i32
    %dma_wait3A_186 = tpu.memref_slice %arg4[%add3A_178, %dma_wait3A_185] : memref<8192x768xf32, #tpu.memory_space<hbm>> -> memref<32x768xf32, #tpu.memory_space<hbm>>
    %dma_wait3A_187 = tpu.memref_slice %arg8[%dma_wait3A_180] : memref<5x!tpu.dma_semaphore, #tpu.memory_space<semaphore_mem>> -> memref<1x!tpu.dma_semaphore, #tpu.memory_space<semaphore_mem>>
    %dma_wait3A_188 = tpu.memref_squeeze %dma_wait3A_187 : memref<1x!tpu.dma_semaphore, #tpu.memory_space<semaphore_mem>> -> memref<!tpu.dma_semaphore, #tpu.memory_space<semaphore_mem>>
    %dma_wait3A_189 = arith.constant 0 : i32
    %dma_wait3A_190 = tpu.memref_slice %arg4[%add3A_178, %dma_wait3A_189] : memref<8192x768xf32, #tpu.memory_space<hbm>> -> memref<32x768xf32, #tpu.memory_space<hbm>>
    %dma_wait3A_191 = arith.constant 0 : i32
    %dma_wait3A_192 = arith.constant 0 : i32
    %dma_wait3A_193 = tpu.memref_slice %arg6[%dma_wait3A_179, %dma_wait3A_191, %dma_wait3A_192] : memref<5x32x768xf32, #tpu.memory_space<vmem>> -> memref<1x32x768xf32, #tpu.memory_space<vmem>>
    %dma_wait3A_194 = tpu.memref_squeeze %dma_wait3A_193 : memref<1x32x768xf32, #tpu.memory_space<vmem>> -> memref<32x768xf32, #tpu.memory_space<vmem>>
    tpu.wait_dma2 semaphore(%dma_wait3A_188 : memref<!tpu.dma_semaphore, #tpu.memory_space<semaphore_mem>>) src(%dma_wait3A_194 : memref<32x768xf32, #tpu.memory_space<vmem>>) dst(%dma_wait3A_190 : memref<32x768xf32, #tpu.memory_space<hbm>>)
    %dma_start3A_195 = arith.constant 1 : i32
    %dma_start3A_196 = arith.constant 0 : i32
    %dma_start3A_197 = arith.constant 0 : i32
    %dma_start3A_198 = tpu.memref_slice %arg6[%dma_start3A_195, %dma_start3A_196, %dma_start3A_197] : memref<5x32x768xf32, #tpu.memory_space<vmem>> -> memref<1x32x768xf32, #tpu.memory_space<vmem>>
    %dma_start3A_199 = tpu.memref_squeeze %dma_start3A_198 : memref<1x32x768xf32, #tpu.memory_space<vmem>> -> memref<32x768xf32, #tpu.memory_space<vmem>>
    %dma_start3A_200 = arith.constant 192 : i32
    %dma_start3A_201 = tpu.memref_slice %arg5[%dma_start3A_200] : memref<256xi32, #tpu.memory_space<vmem>> -> memref<32xi32, #tpu.memory_space<vmem>>
    %dma_start3A_202 = arith.constant 0 : i32
    %dma_start3A_203 = arith.constant 0 : i32
    %dma_start3A_204 = tpu.memref_slice %arg3[%dma_start3A_202, %dma_start3A_203] : memref<50257x768xf32, #tpu.memory_space<hbm>> -> memref<50257x768xf32, #tpu.memory_space<hbm>>
    tpu.enqueue_indirect_dma source(%dma_start3A_204 : memref<50257x768xf32, #tpu.memory_space<hbm>>) target(%dma_start3A_199 : memref<32x768xf32, #tpu.memory_space<vmem>>) offsets(%dma_start3A_201 : memref<32xi32, #tpu.memory_space<vmem>>) semaphore(%arg7 : memref<!tpu.dma_semaphore, #tpu.memory_space<semaphore_mem>>)
    %add3A_205 = arith.constant 64 : i32
    %add3A_206 = arith.addi %mul3A_2, %add3A_205 : i32
    %dma_start3A_207 = arith.constant 2 : i32
    %dma_start3A_208 = arith.constant 2 : i32
    %dma_start3A_209 = arith.constant 0 : i32
    %dma_start3A_210 = arith.constant 0 : i32
    %dma_start3A_211 = tpu.memref_slice %arg6[%dma_start3A_207, %dma_start3A_209, %dma_start3A_210] : memref<5x32x768xf32, #tpu.memory_space<vmem>> -> memref<1x32x768xf32, #tpu.memory_space<vmem>>
    %dma_start3A_212 = tpu.memref_squeeze %dma_start3A_211 : memref<1x32x768xf32, #tpu.memory_space<vmem>> -> memref<32x768xf32, #tpu.memory_space<vmem>>
    %dma_start3A_213 = arith.constant 0 : i32
    %dma_start3A_214 = tpu.memref_slice %arg4[%add3A_206, %dma_start3A_213] : memref<8192x768xf32, #tpu.memory_space<hbm>> -> memref<32x768xf32, #tpu.memory_space<hbm>>
    %dma_start3A_215 = tpu.memref_slice %arg8[%dma_start3A_208] : memref<5x!tpu.dma_semaphore, #tpu.memory_space<semaphore_mem>> -> memref<1x!tpu.dma_semaphore, #tpu.memory_space<semaphore_mem>>
    %dma_start3A_216 = tpu.memref_squeeze %dma_start3A_215 : memref<1x!tpu.dma_semaphore, #tpu.memory_space<semaphore_mem>> -> memref<!tpu.dma_semaphore, #tpu.memory_space<semaphore_mem>>
    %dma_start3A_217 = arith.constant 0 : i32
    %dma_start3A_218 = tpu.memref_slice %arg4[%add3A_206, %dma_start3A_217] : memref<8192x768xf32, #tpu.memory_space<hbm>> -> memref<32x768xf32, #tpu.memory_space<hbm>>
    %dma_start3A_219 = arith.constant 0 : i32
    %dma_start3A_220 = arith.constant 0 : i32
    %dma_start3A_221 = tpu.memref_slice %arg6[%dma_start3A_207, %dma_start3A_219, %dma_start3A_220] : memref<5x32x768xf32, #tpu.memory_space<vmem>> -> memref<1x32x768xf32, #tpu.memory_space<vmem>>
    %dma_start3A_222 = tpu.memref_squeeze %dma_start3A_221 : memref<1x32x768xf32, #tpu.memory_space<vmem>> -> memref<32x768xf32, #tpu.memory_space<vmem>>
    tpu.enqueue_dma source(%dma_start3A_222 : memref<32x768xf32, #tpu.memory_space<vmem>>) target(%dma_start3A_218 : memref<32x768xf32, #tpu.memory_space<hbm>>) target_semaphore(%dma_start3A_216 : memref<!tpu.dma_semaphore, #tpu.memory_space<semaphore_mem>>)
    %dma_wait3A_223 = arith.constant 3 : i32
    %dma_wait3A_224 = arith.constant 0 : i32
    %dma_wait3A_225 = arith.constant 0 : i32
    %dma_wait3A_226 = tpu.memref_slice %arg6[%dma_wait3A_223, %dma_wait3A_224, %dma_wait3A_225] : memref<5x32x768xf32, #tpu.memory_space<vmem>> -> memref<1x32x768xf32, #tpu.memory_space<vmem>>
    %dma_wait3A_227 = tpu.memref_squeeze %dma_wait3A_226 : memref<1x32x768xf32, #tpu.memory_space<vmem>> -> memref<32x768xf32, #tpu.memory_space<vmem>>
    %dma_wait3A_228 = arith.constant 96 : i32
    %dma_wait3A_229 = tpu.memref_slice %arg5[%dma_wait3A_228] : memref<256xi32, #tpu.memory_space<vmem>> -> memref<32xi32, #tpu.memory_space<vmem>>
    %dma_wait3A_230 = arith.constant 0 : i32
    %dma_wait3A_231 = arith.constant 0 : i32
    %dma_wait3A_232 = tpu.memref_slice %arg3[%dma_wait3A_230, %dma_wait3A_231] : memref<50257x768xf32, #tpu.memory_space<hbm>> -> memref<50257x768xf32, #tpu.memory_space<hbm>>
    tpu.wait_indirect_dma semaphore(%arg7 : memref<!tpu.dma_semaphore, #tpu.memory_space<semaphore_mem>>) src(%dma_wait3A_232 : memref<50257x768xf32, #tpu.memory_space<hbm>>) dst(%dma_wait3A_227 : memref<32x768xf32, #tpu.memory_space<vmem>>)
    %add3A_233 = arith.constant 64 : i32
    %add3A_234 = arith.addi %mul3A_2, %add3A_233 : i32
    %dma_wait3A_235 = arith.constant 2 : i32
    %dma_wait3A_236 = arith.constant 2 : i32
    %dma_wait3A_237 = arith.constant 0 : i32
    %dma_wait3A_238 = arith.constant 0 : i32
    %dma_wait3A_239 = tpu.memref_slice %arg6[%dma_wait3A_235, %dma_wait3A_237, %dma_wait3A_238] : memref<5x32x768xf32, #tpu.memory_space<vmem>> -> memref<1x32x768xf32, #tpu.memory_space<vmem>>
    %dma_wait3A_240 = tpu.memref_squeeze %dma_wait3A_239 : memref<1x32x768xf32, #tpu.memory_space<vmem>> -> memref<32x768xf32, #tpu.memory_space<vmem>>
    %dma_wait3A_241 = arith.constant 0 : i32
    %dma_wait3A_242 = tpu.memref_slice %arg4[%add3A_234, %dma_wait3A_241] : memref<8192x768xf32, #tpu.memory_space<hbm>> -> memref<32x768xf32, #tpu.memory_space<hbm>>
    %dma_wait3A_243 = tpu.memref_slice %arg8[%dma_wait3A_236] : memref<5x!tpu.dma_semaphore, #tpu.memory_space<semaphore_mem>> -> memref<1x!tpu.dma_semaphore, #tpu.memory_space<semaphore_mem>>
    %dma_wait3A_244 = tpu.memref_squeeze %dma_wait3A_243 : memref<1x!tpu.dma_semaphore, #tpu.memory_space<semaphore_mem>> -> memref<!tpu.dma_semaphore, #tpu.memory_space<semaphore_mem>>
    %dma_wait3A_245 = arith.constant 0 : i32
    %dma_wait3A_246 = tpu.memref_slice %arg4[%add3A_234, %dma_wait3A_245] : memref<8192x768xf32, #tpu.memory_space<hbm>> -> memref<32x768xf32, #tpu.memory_space<hbm>>
    %dma_wait3A_247 = arith.constant 0 : i32
    %dma_wait3A_248 = arith.constant 0 : i32
    %dma_wait3A_249 = tpu.memref_slice %arg6[%dma_wait3A_235, %dma_wait3A_247, %dma_wait3A_248] : memref<5x32x768xf32, #tpu.memory_space<vmem>> -> memref<1x32x768xf32, #tpu.memory_space<vmem>>
    %dma_wait3A_250 = tpu.memref_squeeze %dma_wait3A_249 : memref<1x32x768xf32, #tpu.memory_space<vmem>> -> memref<32x768xf32, #tpu.memory_space<vmem>>
    tpu.wait_dma2 semaphore(%dma_wait3A_244 : memref<!tpu.dma_semaphore, #tpu.memory_space<semaphore_mem>>) src(%dma_wait3A_250 : memref<32x768xf32, #tpu.memory_space<vmem>>) dst(%dma_wait3A_246 : memref<32x768xf32, #tpu.memory_space<hbm>>)
    %dma_start3A_251 = arith.constant 2 : i32
    %dma_start3A_252 = arith.constant 0 : i32
    %dma_start3A_253 = arith.constant 0 : i32
    %dma_start3A_254 = tpu.memref_slice %arg6[%dma_start3A_251, %dma_start3A_252, %dma_start3A_253] : memref<5x32x768xf32, #tpu.memory_space<vmem>> -> memref<1x32x768xf32, #tpu.memory_space<vmem>>
    %dma_start3A_255 = tpu.memref_squeeze %dma_start3A_254 : memref<1x32x768xf32, #tpu.memory_space<vmem>> -> memref<32x768xf32, #tpu.memory_space<vmem>>
    %dma_start3A_256 = arith.constant 224 : i32
    %dma_start3A_257 = tpu.memref_slice %arg5[%dma_start3A_256] : memref<256xi32, #tpu.memory_space<vmem>> -> memref<32xi32, #tpu.memory_space<vmem>>
    %dma_start3A_258 = arith.constant 0 : i32
    %dma_start3A_259 = arith.constant 0 : i32
    %dma_start3A_260 = tpu.memref_slice %arg3[%dma_start3A_258, %dma_start3A_259] : memref<50257x768xf32, #tpu.memory_space<hbm>> -> memref<50257x768xf32, #tpu.memory_space<hbm>>
    tpu.enqueue_indirect_dma source(%dma_start3A_260 : memref<50257x768xf32, #tpu.memory_space<hbm>>) target(%dma_start3A_255 : memref<32x768xf32, #tpu.memory_space<vmem>>) offsets(%dma_start3A_257 : memref<32xi32, #tpu.memory_space<vmem>>) semaphore(%arg7 : memref<!tpu.dma_semaphore, #tpu.memory_space<semaphore_mem>>)
    %add3A_261 = arith.constant 96 : i32
    %add3A_262 = arith.addi %mul3A_2, %add3A_261 : i32
    %dma_start3A_263 = arith.constant 3 : i32
    %dma_start3A_264 = arith.constant 3 : i32
    %dma_start3A_265 = arith.constant 0 : i32
    %dma_start3A_266 = arith.constant 0 : i32
    %dma_start3A_267 = tpu.memref_slice %arg6[%dma_start3A_263, %dma_start3A_265, %dma_start3A_266] : memref<5x32x768xf32, #tpu.memory_space<vmem>> -> memref<1x32x768xf32, #tpu.memory_space<vmem>>
    %dma_start3A_268 = tpu.memref_squeeze %dma_start3A_267 : memref<1x32x768xf32, #tpu.memory_space<vmem>> -> memref<32x768xf32, #tpu.memory_space<vmem>>
    %dma_start3A_269 = arith.constant 0 : i32
    %dma_start3A_270 = tpu.memref_slice %arg4[%add3A_262, %dma_start3A_269] : memref<8192x768xf32, #tpu.memory_space<hbm>> -> memref<32x768xf32, #tpu.memory_space<hbm>>
    %dma_start3A_271 = tpu.memref_slice %arg8[%dma_start3A_264] : memref<5x!tpu.dma_semaphore, #tpu.memory_space<semaphore_mem>> -> memref<1x!tpu.dma_semaphore, #tpu.memory_space<semaphore_mem>>
    %dma_start3A_272 = tpu.memref_squeeze %dma_start3A_271 : memref<1x!tpu.dma_semaphore, #tpu.memory_space<semaphore_mem>> -> memref<!tpu.dma_semaphore, #tpu.memory_space<semaphore_mem>>
    %dma_start3A_273 = arith.constant 0 : i32
    %dma_start3A_274 = tpu.memref_slice %arg4[%add3A_262, %dma_start3A_273] : memref<8192x768xf32, #tpu.memory_space<hbm>> -> memref<32x768xf32, #tpu.memory_space<hbm>>
    %dma_start3A_275 = arith.constant 0 : i32
    %dma_start3A_276 = arith.constant 0 : i32
    %dma_start3A_277 = tpu.memref_slice %arg6[%dma_start3A_263, %dma_start3A_275, %dma_start3A_276] : memref<5x32x768xf32, #tpu.memory_space<vmem>> -> memref<1x32x768xf32, #tpu.memory_space<vmem>>
    %dma_start3A_278 = tpu.memref_squeeze %dma_start3A_277 : memref<1x32x768xf32, #tpu.memory_space<vmem>> -> memref<32x768xf32, #tpu.memory_space<vmem>>
    tpu.enqueue_dma source(%dma_start3A_278 : memref<32x768xf32, #tpu.memory_space<vmem>>) target(%dma_start3A_274 : memref<32x768xf32, #tpu.memory_space<hbm>>) target_semaphore(%dma_start3A_272 : memref<!tpu.dma_semaphore, #tpu.memory_space<semaphore_mem>>)
    %dma_wait3A_279 = arith.constant 4 : i32
    %dma_wait3A_280 = arith.constant 0 : i32
    %dma_wait3A_281 = arith.constant 0 : i32
    %dma_wait3A_282 = tpu.memref_slice %arg6[%dma_wait3A_279, %dma_wait3A_280, %dma_wait3A_281] : memref<5x32x768xf32, #tpu.memory_space<vmem>> -> memref<1x32x768xf32, #tpu.memory_space<vmem>>
    %dma_wait3A_283 = tpu.memref_squeeze %dma_wait3A_282 : memref<1x32x768xf32, #tpu.memory_space<vmem>> -> memref<32x768xf32, #tpu.memory_space<vmem>>
    %dma_wait3A_284 = arith.constant 128 : i32
    %dma_wait3A_285 = tpu.memref_slice %arg5[%dma_wait3A_284] : memref<256xi32, #tpu.memory_space<vmem>> -> memref<32xi32, #tpu.memory_space<vmem>>
    %dma_wait3A_286 = arith.constant 0 : i32
    %dma_wait3A_287 = arith.constant 0 : i32
    %dma_wait3A_288 = tpu.memref_slice %arg3[%dma_wait3A_286, %dma_wait3A_287] : memref<50257x768xf32, #tpu.memory_space<hbm>> -> memref<50257x768xf32, #tpu.memory_space<hbm>>
    tpu.wait_indirect_dma semaphore(%arg7 : memref<!tpu.dma_semaphore, #tpu.memory_space<semaphore_mem>>) src(%dma_wait3A_288 : memref<50257x768xf32, #tpu.memory_space<hbm>>) dst(%dma_wait3A_283 : memref<32x768xf32, #tpu.memory_space<vmem>>)
    %add3A_289 = arith.constant 128 : i32
    %add3A_290 = arith.addi %mul3A_2, %add3A_289 : i32
    %dma_start3A_291 = arith.constant 4 : i32
    %dma_start3A_292 = arith.constant 4 : i32
    %dma_start3A_293 = arith.constant 0 : i32
    %dma_start3A_294 = arith.constant 0 : i32
    %dma_start3A_295 = tpu.memref_slice %arg6[%dma_start3A_291, %dma_start3A_293, %dma_start3A_294] : memref<5x32x768xf32, #tpu.memory_space<vmem>> -> memref<1x32x768xf32, #tpu.memory_space<vmem>>
    %dma_start3A_296 = tpu.memref_squeeze %dma_start3A_295 : memref<1x32x768xf32, #tpu.memory_space<vmem>> -> memref<32x768xf32, #tpu.memory_space<vmem>>
    %dma_start3A_297 = arith.constant 0 : i32
    %dma_start3A_298 = tpu.memref_slice %arg4[%add3A_290, %dma_start3A_297] : memref<8192x768xf32, #tpu.memory_space<hbm>> -> memref<32x768xf32, #tpu.memory_space<hbm>>
    %dma_start3A_299 = tpu.memref_slice %arg8[%dma_start3A_292] : memref<5x!tpu.dma_semaphore, #tpu.memory_space<semaphore_mem>> -> memref<1x!tpu.dma_semaphore, #tpu.memory_space<semaphore_mem>>
    %dma_start3A_300 = tpu.memref_squeeze %dma_start3A_299 : memref<1x!tpu.dma_semaphore, #tpu.memory_space<semaphore_mem>> -> memref<!tpu.dma_semaphore, #tpu.memory_space<semaphore_mem>>
    %dma_start3A_301 = arith.constant 0 : i32
    %dma_start3A_302 = tpu.memref_slice %arg4[%add3A_290, %dma_start3A_301] : memref<8192x768xf32, #tpu.memory_space<hbm>> -> memref<32x768xf32, #tpu.memory_space<hbm>>
    %dma_start3A_303 = arith.constant 0 : i32
    %dma_start3A_304 = arith.constant 0 : i32
    %dma_start3A_305 = tpu.memref_slice %arg6[%dma_start3A_291, %dma_start3A_303, %dma_start3A_304] : memref<5x32x768xf32, #tpu.memory_space<vmem>> -> memref<1x32x768xf32, #tpu.memory_space<vmem>>
    %dma_start3A_306 = tpu.memref_squeeze %dma_start3A_305 : memref<1x32x768xf32, #tpu.memory_space<vmem>> -> memref<32x768xf32, #tpu.memory_space<vmem>>
    tpu.enqueue_dma source(%dma_start3A_306 : memref<32x768xf32, #tpu.memory_space<vmem>>) target(%dma_start3A_302 : memref<32x768xf32, #tpu.memory_space<hbm>>) target_semaphore(%dma_start3A_300 : memref<!tpu.dma_semaphore, #tpu.memory_space<semaphore_mem>>)
    %dma_wait3A_307 = arith.constant 0 : i32
    %dma_wait3A_308 = arith.constant 0 : i32
    %dma_wait3A_309 = arith.constant 0 : i32
    %dma_wait3A_310 = tpu.memref_slice %arg6[%dma_wait3A_307, %dma_wait3A_308, %dma_wait3A_309] : memref<5x32x768xf32, #tpu.memory_space<vmem>> -> memref<1x32x768xf32, #tpu.memory_space<vmem>>
    %dma_wait3A_311 = tpu.memref_squeeze %dma_wait3A_310 : memref<1x32x768xf32, #tpu.memory_space<vmem>> -> memref<32x768xf32, #tpu.memory_space<vmem>>
    %dma_wait3A_312 = arith.constant 160 : i32
    %dma_wait3A_313 = tpu.memref_slice %arg5[%dma_wait3A_312] : memref<256xi32, #tpu.memory_space<vmem>> -> memref<32xi32, #tpu.memory_space<vmem>>
    %dma_wait3A_314 = arith.constant 0 : i32
    %dma_wait3A_315 = arith.constant 0 : i32
    %dma_wait3A_316 = tpu.memref_slice %arg3[%dma_wait3A_314, %dma_wait3A_315] : memref<50257x768xf32, #tpu.memory_space<hbm>> -> memref<50257x768xf32, #tpu.memory_space<hbm>>
    tpu.wait_indirect_dma semaphore(%arg7 : memref<!tpu.dma_semaphore, #tpu.memory_space<semaphore_mem>>) src(%dma_wait3A_316 : memref<50257x768xf32, #tpu.memory_space<hbm>>) dst(%dma_wait3A_311 : memref<32x768xf32, #tpu.memory_space<vmem>>)
    %add3A_317 = arith.constant 160 : i32
    %add3A_318 = arith.addi %mul3A_2, %add3A_317 : i32
    %dma_start3A_319 = arith.constant 0 : i32
    %dma_start3A_320 = arith.constant 0 : i32
    %dma_start3A_321 = arith.constant 0 : i32
    %dma_start3A_322 = arith.constant 0 : i32
    %dma_start3A_323 = tpu.memref_slice %arg6[%dma_start3A_319, %dma_start3A_321, %dma_start3A_322] : memref<5x32x768xf32, #tpu.memory_space<vmem>> -> memref<1x32x768xf32, #tpu.memory_space<vmem>>
    %dma_start3A_324 = tpu.memref_squeeze %dma_start3A_323 : memref<1x32x768xf32, #tpu.memory_space<vmem>> -> memref<32x768xf32, #tpu.memory_space<vmem>>
    %dma_start3A_325 = arith.constant 0 : i32
    %dma_start3A_326 = tpu.memref_slice %arg4[%add3A_318, %dma_start3A_325] : memref<8192x768xf32, #tpu.memory_space<hbm>> -> memref<32x768xf32, #tpu.memory_space<hbm>>
    %dma_start3A_327 = tpu.memref_slice %arg8[%dma_start3A_320] : memref<5x!tpu.dma_semaphore, #tpu.memory_space<semaphore_mem>> -> memref<1x!tpu.dma_semaphore, #tpu.memory_space<semaphore_mem>>
    %dma_start3A_328 = tpu.memref_squeeze %dma_start3A_327 : memref<1x!tpu.dma_semaphore, #tpu.memory_space<semaphore_mem>> -> memref<!tpu.dma_semaphore, #tpu.memory_space<semaphore_mem>>
    %dma_start3A_329 = arith.constant 0 : i32
    %dma_start3A_330 = tpu.memref_slice %arg4[%add3A_318, %dma_start3A_329] : memref<8192x768xf32, #tpu.memory_space<hbm>> -> memref<32x768xf32, #tpu.memory_space<hbm>>
    %dma_start3A_331 = arith.constant 0 : i32
    %dma_start3A_332 = arith.constant 0 : i32
    %dma_start3A_333 = tpu.memref_slice %arg6[%dma_start3A_319, %dma_start3A_331, %dma_start3A_332] : memref<5x32x768xf32, #tpu.memory_space<vmem>> -> memref<1x32x768xf32, #tpu.memory_space<vmem>>
    %dma_start3A_334 = tpu.memref_squeeze %dma_start3A_333 : memref<1x32x768xf32, #tpu.memory_space<vmem>> -> memref<32x768xf32, #tpu.memory_space<vmem>>
    tpu.enqueue_dma source(%dma_start3A_334 : memref<32x768xf32, #tpu.memory_space<vmem>>) target(%dma_start3A_330 : memref<32x768xf32, #tpu.memory_space<hbm>>) target_semaphore(%dma_start3A_328 : memref<!tpu.dma_semaphore, #tpu.memory_space<semaphore_mem>>)
    %dma_wait3A_335 = arith.constant 1 : i32
    %dma_wait3A_336 = arith.constant 0 : i32
    %dma_wait3A_337 = arith.constant 0 : i32
    %dma_wait3A_338 = tpu.memref_slice %arg6[%dma_wait3A_335, %dma_wait3A_336, %dma_wait3A_337] : memref<5x32x768xf32, #tpu.memory_space<vmem>> -> memref<1x32x768xf32, #tpu.memory_space<vmem>>
    %dma_wait3A_339 = tpu.memref_squeeze %dma_wait3A_338 : memref<1x32x768xf32, #tpu.memory_space<vmem>> -> memref<32x768xf32, #tpu.memory_space<vmem>>
    %dma_wait3A_340 = arith.constant 192 : i32
    %dma_wait3A_341 = tpu.memref_slice %arg5[%dma_wait3A_340] : memref<256xi32, #tpu.memory_space<vmem>> -> memref<32xi32, #tpu.memory_space<vmem>>
    %dma_wait3A_342 = arith.constant 0 : i32
    %dma_wait3A_343 = arith.constant 0 : i32
    %dma_wait3A_344 = tpu.memref_slice %arg3[%dma_wait3A_342, %dma_wait3A_343] : memref<50257x768xf32, #tpu.memory_space<hbm>> -> memref<50257x768xf32, #tpu.memory_space<hbm>>
    tpu.wait_indirect_dma semaphore(%arg7 : memref<!tpu.dma_semaphore, #tpu.memory_space<semaphore_mem>>) src(%dma_wait3A_344 : memref<50257x768xf32, #tpu.memory_space<hbm>>) dst(%dma_wait3A_339 : memref<32x768xf32, #tpu.memory_space<vmem>>)
    %add3A_345 = arith.constant 192 : i32
    %add3A_346 = arith.addi %mul3A_2, %add3A_345 : i32
    %dma_start3A_347 = arith.constant 1 : i32
    %dma_start3A_348 = arith.constant 1 : i32
    %dma_start3A_349 = arith.constant 0 : i32
    %dma_start3A_350 = arith.constant 0 : i32
    %dma_start3A_351 = tpu.memref_slice %arg6[%dma_start3A_347, %dma_start3A_349, %dma_start3A_350] : memref<5x32x768xf32, #tpu.memory_space<vmem>> -> memref<1x32x768xf32, #tpu.memory_space<vmem>>
    %dma_start3A_352 = tpu.memref_squeeze %dma_start3A_351 : memref<1x32x768xf32, #tpu.memory_space<vmem>> -> memref<32x768xf32, #tpu.memory_space<vmem>>
    %dma_start3A_353 = arith.constant 0 : i32
    %dma_start3A_354 = tpu.memref_slice %arg4[%add3A_346, %dma_start3A_353] : memref<8192x768xf32, #tpu.memory_space<hbm>> -> memref<32x768xf32, #tpu.memory_space<hbm>>
    %dma_start3A_355 = tpu.memref_slice %arg8[%dma_start3A_348] : memref<5x!tpu.dma_semaphore, #tpu.memory_space<semaphore_mem>> -> memref<1x!tpu.dma_semaphore, #tpu.memory_space<semaphore_mem>>
    %dma_start3A_356 = tpu.memref_squeeze %dma_start3A_355 : memref<1x!tpu.dma_semaphore, #tpu.memory_space<semaphore_mem>> -> memref<!tpu.dma_semaphore, #tpu.memory_space<semaphore_mem>>
    %dma_start3A_357 = arith.constant 0 : i32
    %dma_start3A_358 = tpu.memref_slice %arg4[%add3A_346, %dma_start3A_357] : memref<8192x768xf32, #tpu.memory_space<hbm>> -> memref<32x768xf32, #tpu.memory_space<hbm>>
    %dma_start3A_359 = arith.constant 0 : i32
    %dma_start3A_360 = arith.constant 0 : i32
    %dma_start3A_361 = tpu.memref_slice %arg6[%dma_start3A_347, %dma_start3A_359, %dma_start3A_360] : memref<5x32x768xf32, #tpu.memory_space<vmem>> -> memref<1x32x768xf32, #tpu.memory_space<vmem>>
    %dma_start3A_362 = tpu.memref_squeeze %dma_start3A_361 : memref<1x32x768xf32, #tpu.memory_space<vmem>> -> memref<32x768xf32, #tpu.memory_space<vmem>>
    tpu.enqueue_dma source(%dma_start3A_362 : memref<32x768xf32, #tpu.memory_space<vmem>>) target(%dma_start3A_358 : memref<32x768xf32, #tpu.memory_space<hbm>>) target_semaphore(%dma_start3A_356 : memref<!tpu.dma_semaphore, #tpu.memory_space<semaphore_mem>>)
    %dma_wait3A_363 = arith.constant 2 : i32
    %dma_wait3A_364 = arith.constant 0 : i32
    %dma_wait3A_365 = arith.constant 0 : i32
    %dma_wait3A_366 = tpu.memref_slice %arg6[%dma_wait3A_363, %dma_wait3A_364, %dma_wait3A_365] : memref<5x32x768xf32, #tpu.memory_space<vmem>> -> memref<1x32x768xf32, #tpu.memory_space<vmem>>
    %dma_wait3A_367 = tpu.memref_squeeze %dma_wait3A_366 : memref<1x32x768xf32, #tpu.memory_space<vmem>> -> memref<32x768xf32, #tpu.memory_space<vmem>>
    %dma_wait3A_368 = arith.constant 224 : i32
    %dma_wait3A_369 = tpu.memref_slice %arg5[%dma_wait3A_368] : memref<256xi32, #tpu.memory_space<vmem>> -> memref<32xi32, #tpu.memory_space<vmem>>
    %dma_wait3A_370 = arith.constant 0 : i32
    %dma_wait3A_371 = arith.constant 0 : i32
    %dma_wait3A_372 = tpu.memref_slice %arg3[%dma_wait3A_370, %dma_wait3A_371] : memref<50257x768xf32, #tpu.memory_space<hbm>> -> memref<50257x768xf32, #tpu.memory_space<hbm>>
    tpu.wait_indirect_dma semaphore(%arg7 : memref<!tpu.dma_semaphore, #tpu.memory_space<semaphore_mem>>) src(%dma_wait3A_372 : memref<50257x768xf32, #tpu.memory_space<hbm>>) dst(%dma_wait3A_367 : memref<32x768xf32, #tpu.memory_space<vmem>>)
    %add3A_373 = arith.constant 224 : i32
    %add3A_374 = arith.addi %mul3A_2, %add3A_373 : i32
    %dma_start3A_375 = arith.constant 2 : i32
    %dma_start3A_376 = arith.constant 2 : i32
    %dma_start3A_377 = arith.constant 0 : i32
    %dma_start3A_378 = arith.constant 0 : i32
    %dma_start3A_379 = tpu.memref_slice %arg6[%dma_start3A_375, %dma_start3A_377, %dma_start3A_378] : memref<5x32x768xf32, #tpu.memory_space<vmem>> -> memref<1x32x768xf32, #tpu.memory_space<vmem>>
    %dma_start3A_380 = tpu.memref_squeeze %dma_start3A_379 : memref<1x32x768xf32, #tpu.memory_space<vmem>> -> memref<32x768xf32, #tpu.memory_space<vmem>>
    %dma_start3A_381 = arith.constant 0 : i32
    %dma_start3A_382 = tpu.memref_slice %arg4[%add3A_374, %dma_start3A_381] : memref<8192x768xf32, #tpu.memory_space<hbm>> -> memref<32x768xf32, #tpu.memory_space<hbm>>
    %dma_start3A_383 = tpu.memref_slice %arg8[%dma_start3A_376] : memref<5x!tpu.dma_semaphore, #tpu.memory_space<semaphore_mem>> -> memref<1x!tpu.dma_semaphore, #tpu.memory_space<semaphore_mem>>
    %dma_start3A_384 = tpu.memref_squeeze %dma_start3A_383 : memref<1x!tpu.dma_semaphore, #tpu.memory_space<semaphore_mem>> -> memref<!tpu.dma_semaphore, #tpu.memory_space<semaphore_mem>>
    %dma_start3A_385 = arith.constant 0 : i32
    %dma_start3A_386 = tpu.memref_slice %arg4[%add3A_374, %dma_start3A_385] : memref<8192x768xf32, #tpu.memory_space<hbm>> -> memref<32x768xf32, #tpu.memory_space<hbm>>
    %dma_start3A_387 = arith.constant 0 : i32
    %dma_start3A_388 = arith.constant 0 : i32
    %dma_start3A_389 = tpu.memref_slice %arg6[%dma_start3A_375, %dma_start3A_387, %dma_start3A_388] : memref<5x32x768xf32, #tpu.memory_space<vmem>> -> memref<1x32x768xf32, #tpu.memory_space<vmem>>
    %dma_start3A_390 = tpu.memref_squeeze %dma_start3A_389 : memref<1x32x768xf32, #tpu.memory_space<vmem>> -> memref<32x768xf32, #tpu.memory_space<vmem>>
    tpu.enqueue_dma source(%dma_start3A_390 : memref<32x768xf32, #tpu.memory_space<vmem>>) target(%dma_start3A_386 : memref<32x768xf32, #tpu.memory_space<hbm>>) target_semaphore(%dma_start3A_384 : memref<!tpu.dma_semaphore, #tpu.memory_space<semaphore_mem>>)
    %add3A_391 = arith.constant 96 : i32
    %add3A_392 = arith.addi %mul3A_2, %add3A_391 : i32
    %dma_wait3A_393 = arith.constant 3 : i32
    %dma_wait3A_394 = arith.constant 3 : i32
    %dma_wait3A_395 = arith.constant 0 : i32
    %dma_wait3A_396 = arith.constant 0 : i32
    %dma_wait3A_397 = tpu.memref_slice %arg6[%dma_wait3A_393, %dma_wait3A_395, %dma_wait3A_396] : memref<5x32x768xf32, #tpu.memory_space<vmem>> -> memref<1x32x768xf32, #tpu.memory_space<vmem>>
    %dma_wait3A_398 = tpu.memref_squeeze %dma_wait3A_397 : memref<1x32x768xf32, #tpu.memory_space<vmem>> -> memref<32x768xf32, #tpu.memory_space<vmem>>
    %dma_wait3A_399 = arith.constant 0 : i32
    %dma_wait3A_400 = tpu.memref_slice %arg4[%add3A_392, %dma_wait3A_399] : memref<8192x768xf32, #tpu.memory_space<hbm>> -> memref<32x768xf32, #tpu.memory_space<hbm>>
    %dma_wait3A_401 = tpu.memref_slice %arg8[%dma_wait3A_394] : memref<5x!tpu.dma_semaphore, #tpu.memory_space<semaphore_mem>> -> memref<1x!tpu.dma_semaphore, #tpu.memory_space<semaphore_mem>>
    %dma_wait3A_402 = tpu.memref_squeeze %dma_wait3A_401 : memref<1x!tpu.dma_semaphore, #tpu.memory_space<semaphore_mem>> -> memref<!tpu.dma_semaphore, #tpu.memory_space<semaphore_mem>>
    %dma_wait3A_403 = arith.constant 0 : i32
    %dma_wait3A_404 = tpu.memref_slice %arg4[%add3A_392, %dma_wait3A_403] : memref<8192x768xf32, #tpu.memory_space<hbm>> -> memref<32x768xf32, #tpu.memory_space<hbm>>
    %dma_wait3A_405 = arith.constant 0 : i32
    %dma_wait3A_406 = arith.constant 0 : i32
    %dma_wait3A_407 = tpu.memref_slice %arg6[%dma_wait3A_393, %dma_wait3A_405, %dma_wait3A_406] : memref<5x32x768xf32, #tpu.memory_space<vmem>> -> memref<1x32x768xf32, #tpu.memory_space<vmem>>
    %dma_wait3A_408 = tpu.memref_squeeze %dma_wait3A_407 : memref<1x32x768xf32, #tpu.memory_space<vmem>> -> memref<32x768xf32, #tpu.memory_space<vmem>>
    tpu.wait_dma2 semaphore(%dma_wait3A_402 : memref<!tpu.dma_semaphore, #tpu.memory_space<semaphore_mem>>) src(%dma_wait3A_408 : memref<32x768xf32, #tpu.memory_space<vmem>>) dst(%dma_wait3A_404 : memref<32x768xf32, #tpu.memory_space<hbm>>)
    %add3A_409 = arith.constant 128 : i32
    %add3A_410 = arith.addi %mul3A_2, %add3A_409 : i32
    %dma_wait3A_411 = arith.constant 4 : i32
    %dma_wait3A_412 = arith.constant 4 : i32
    %dma_wait3A_413 = arith.constant 0 : i32
    %dma_wait3A_414 = arith.constant 0 : i32
    %dma_wait3A_415 = tpu.memref_slice %arg6[%dma_wait3A_411, %dma_wait3A_413, %dma_wait3A_414] : memref<5x32x768xf32, #tpu.memory_space<vmem>> -> memref<1x32x768xf32, #tpu.memory_space<vmem>>
    %dma_wait3A_416 = tpu.memref_squeeze %dma_wait3A_415 : memref<1x32x768xf32, #tpu.memory_space<vmem>> -> memref<32x768xf32, #tpu.memory_space<vmem>>
    %dma_wait3A_417 = arith.constant 0 : i32
    %dma_wait3A_418 = tpu.memref_slice %arg4[%add3A_410, %dma_wait3A_417] : memref<8192x768xf32, #tpu.memory_space<hbm>> -> memref<32x768xf32, #tpu.memory_space<hbm>>
    %dma_wait3A_419 = tpu.memref_slice %arg8[%dma_wait3A_412] : memref<5x!tpu.dma_semaphore, #tpu.memory_space<semaphore_mem>> -> memref<1x!tpu.dma_semaphore, #tpu.memory_space<semaphore_mem>>
    %dma_wait3A_420 = tpu.memref_squeeze %dma_wait3A_419 : memref<1x!tpu.dma_semaphore, #tpu.memory_space<semaphore_mem>> -> memref<!tpu.dma_semaphore, #tpu.memory_space<semaphore_mem>>
    %dma_wait3A_421 = arith.constant 0 : i32
    %dma_wait3A_422 = tpu.memref_slice %arg4[%add3A_410, %dma_wait3A_421] : memref<8192x768xf32, #tpu.memory_space<hbm>> -> memref<32x768xf32, #tpu.memory_space<hbm>>
    %dma_wait3A_423 = arith.constant 0 : i32
    %dma_wait3A_424 = arith.constant 0 : i32
    %dma_wait3A_425 = tpu.memref_slice %arg6[%dma_wait3A_411, %dma_wait3A_423, %dma_wait3A_424] : memref<5x32x768xf32, #tpu.memory_space<vmem>> -> memref<1x32x768xf32, #tpu.memory_space<vmem>>
    %dma_wait3A_426 = tpu.memref_squeeze %dma_wait3A_425 : memref<1x32x768xf32, #tpu.memory_space<vmem>> -> memref<32x768xf32, #tpu.memory_space<vmem>>
    tpu.wait_dma2 semaphore(%dma_wait3A_420 : memref<!tpu.dma_semaphore, #tpu.memory_space<semaphore_mem>>) src(%dma_wait3A_426 : memref<32x768xf32, #tpu.memory_space<vmem>>) dst(%dma_wait3A_422 : memref<32x768xf32, #tpu.memory_space<hbm>>)
    %add3A_427 = arith.constant 160 : i32
    %add3A_428 = arith.addi %mul3A_2, %add3A_427 : i32
    %dma_wait3A_429 = arith.constant 0 : i32
    %dma_wait3A_430 = arith.constant 0 : i32
    %dma_wait3A_431 = arith.constant 0 : i32
    %dma_wait3A_432 = arith.constant 0 : i32
    %dma_wait3A_433 = tpu.memref_slice %arg6[%dma_wait3A_429, %dma_wait3A_431, %dma_wait3A_432] : memref<5x32x768xf32, #tpu.memory_space<vmem>> -> memref<1x32x768xf32, #tpu.memory_space<vmem>>
    %dma_wait3A_434 = tpu.memref_squeeze %dma_wait3A_433 : memref<1x32x768xf32, #tpu.memory_space<vmem>> -> memref<32x768xf32, #tpu.memory_space<vmem>>
    %dma_wait3A_435 = arith.constant 0 : i32
    %dma_wait3A_436 = tpu.memref_slice %arg4[%add3A_428, %dma_wait3A_435] : memref<8192x768xf32, #tpu.memory_space<hbm>> -> memref<32x768xf32, #tpu.memory_space<hbm>>
    %dma_wait3A_437 = tpu.memref_slice %arg8[%dma_wait3A_430] : memref<5x!tpu.dma_semaphore, #tpu.memory_space<semaphore_mem>> -> memref<1x!tpu.dma_semaphore, #tpu.memory_space<semaphore_mem>>
    %dma_wait3A_438 = tpu.memref_squeeze %dma_wait3A_437 : memref<1x!tpu.dma_semaphore, #tpu.memory_space<semaphore_mem>> -> memref<!tpu.dma_semaphore, #tpu.memory_space<semaphore_mem>>
    %dma_wait3A_439 = arith.constant 0 : i32
    %dma_wait3A_440 = tpu.memref_slice %arg4[%add3A_428, %dma_wait3A_439] : memref<8192x768xf32, #tpu.memory_space<hbm>> -> memref<32x768xf32, #tpu.memory_space<hbm>>
    %dma_wait3A_441 = arith.constant 0 : i32
    %dma_wait3A_442 = arith.constant 0 : i32
    %dma_wait3A_443 = tpu.memref_slice %arg6[%dma_wait3A_429, %dma_wait3A_441, %dma_wait3A_442] : memref<5x32x768xf32, #tpu.memory_space<vmem>> -> memref<1x32x768xf32, #tpu.memory_space<vmem>>
    %dma_wait3A_444 = tpu.memref_squeeze %dma_wait3A_443 : memref<1x32x768xf32, #tpu.memory_space<vmem>> -> memref<32x768xf32, #tpu.memory_space<vmem>>
    tpu.wait_dma2 semaphore(%dma_wait3A_438 : memref<!tpu.dma_semaphore, #tpu.memory_space<semaphore_mem>>) src(%dma_wait3A_444 : memref<32x768xf32, #tpu.memory_space<vmem>>) dst(%dma_wait3A_440 : memref<32x768xf32, #tpu.memory_space<hbm>>)
    %add3A_445 = arith.constant 192 : i32
    %add3A_446 = arith.addi %mul3A_2, %add3A_445 : i32
    %dma_wait3A_447 = arith.constant 1 : i32
    %dma_wait3A_448 = arith.constant 1 : i32
    %dma_wait3A_449 = arith.constant 0 : i32
    %dma_wait3A_450 = arith.constant 0 : i32
    %dma_wait3A_451 = tpu.memref_slice %arg6[%dma_wait3A_447, %dma_wait3A_449, %dma_wait3A_450] : memref<5x32x768xf32, #tpu.memory_space<vmem>> -> memref<1x32x768xf32, #tpu.memory_space<vmem>>
    %dma_wait3A_452 = tpu.memref_squeeze %dma_wait3A_451 : memref<1x32x768xf32, #tpu.memory_space<vmem>> -> memref<32x768xf32, #tpu.memory_space<vmem>>
    %dma_wait3A_453 = arith.constant 0 : i32
    %dma_wait3A_454 = tpu.memref_slice %arg4[%add3A_446, %dma_wait3A_453] : memref<8192x768xf32, #tpu.memory_space<hbm>> -> memref<32x768xf32, #tpu.memory_space<hbm>>
    %dma_wait3A_455 = tpu.memref_slice %arg8[%dma_wait3A_448] : memref<5x!tpu.dma_semaphore, #tpu.memory_space<semaphore_mem>> -> memref<1x!tpu.dma_semaphore, #tpu.memory_space<semaphore_mem>>
    %dma_wait3A_456 = tpu.memref_squeeze %dma_wait3A_455 : memref<1x!tpu.dma_semaphore, #tpu.memory_space<semaphore_mem>> -> memref<!tpu.dma_semaphore, #tpu.memory_space<semaphore_mem>>
    %dma_wait3A_457 = arith.constant 0 : i32
    %dma_wait3A_458 = tpu.memref_slice %arg4[%add3A_446, %dma_wait3A_457] : memref<8192x768xf32, #tpu.memory_space<hbm>> -> memref<32x768xf32, #tpu.memory_space<hbm>>
    %dma_wait3A_459 = arith.constant 0 : i32
    %dma_wait3A_460 = arith.constant 0 : i32
    %dma_wait3A_461 = tpu.memref_slice %arg6[%dma_wait3A_447, %dma_wait3A_459, %dma_wait3A_460] : memref<5x32x768xf32, #tpu.memory_space<vmem>> -> memref<1x32x768xf32, #tpu.memory_space<vmem>>
    %dma_wait3A_462 = tpu.memref_squeeze %dma_wait3A_461 : memref<1x32x768xf32, #tpu.memory_space<vmem>> -> memref<32x768xf32, #tpu.memory_space<vmem>>
    tpu.wait_dma2 semaphore(%dma_wait3A_456 : memref<!tpu.dma_semaphore, #tpu.memory_space<semaphore_mem>>) src(%dma_wait3A_462 : memref<32x768xf32, #tpu.memory_space<vmem>>) dst(%dma_wait3A_458 : memref<32x768xf32, #tpu.memory_space<hbm>>)
    %add3A_463 = arith.constant 224 : i32
    %add3A_464 = arith.addi %mul3A_2, %add3A_463 : i32
    %dma_wait3A_465 = arith.constant 2 : i32
    %dma_wait3A_466 = arith.constant 2 : i32
    %dma_wait3A_467 = arith.constant 0 : i32
    %dma_wait3A_468 = arith.constant 0 : i32
    %dma_wait3A_469 = tpu.memref_slice %arg6[%dma_wait3A_465, %dma_wait3A_467, %dma_wait3A_468] : memref<5x32x768xf32, #tpu.memory_space<vmem>> -> memref<1x32x768xf32, #tpu.memory_space<vmem>>
    %dma_wait3A_470 = tpu.memref_squeeze %dma_wait3A_469 : memref<1x32x768xf32, #tpu.memory_space<vmem>> -> memref<32x768xf32, #tpu.memory_space<vmem>>
    %dma_wait3A_471 = arith.constant 0 : i32
    %dma_wait3A_472 = tpu.memref_slice %arg4[%add3A_464, %dma_wait3A_471] : memref<8192x768xf32, #tpu.memory_space<hbm>> -> memref<32x768xf32, #tpu.memory_space<hbm>>
    %dma_wait3A_473 = tpu.memref_slice %arg8[%dma_wait3A_466] : memref<5x!tpu.dma_semaphore, #tpu.memory_space<semaphore_mem>> -> memref<1x!tpu.dma_semaphore, #tpu.memory_space<semaphore_mem>>
    %dma_wait3A_474 = tpu.memref_squeeze %dma_wait3A_473 : memref<1x!tpu.dma_semaphore, #tpu.memory_space<semaphore_mem>> -> memref<!tpu.dma_semaphore, #tpu.memory_space<semaphore_mem>>
    %dma_wait3A_475 = arith.constant 0 : i32
    %dma_wait3A_476 = tpu.memref_slice %arg4[%add3A_464, %dma_wait3A_475] : memref<8192x768xf32, #tpu.memory_space<hbm>> -> memref<32x768xf32, #tpu.memory_space<hbm>>
    %dma_wait3A_477 = arith.constant 0 : i32
    %dma_wait3A_478 = arith.constant 0 : i32
    %dma_wait3A_479 = tpu.memref_slice %arg6[%dma_wait3A_465, %dma_wait3A_477, %dma_wait3A_478] : memref<5x32x768xf32, #tpu.memory_space<vmem>> -> memref<1x32x768xf32, #tpu.memory_space<vmem>>
    %dma_wait3A_480 = tpu.memref_squeeze %dma_wait3A_479 : memref<1x32x768xf32, #tpu.memory_space<vmem>> -> memref<32x768xf32, #tpu.memory_space<vmem>>
    tpu.wait_dma2 semaphore(%dma_wait3A_474 : memref<!tpu.dma_semaphore, #tpu.memory_space<semaphore_mem>>) src(%dma_wait3A_480 : memref<32x768xf32, #tpu.memory_space<vmem>>) dst(%dma_wait3A_476 : memref<32x768xf32, #tpu.memory_space<hbm>>)
    return
  }
}

</mosaic_0001>

<sc_bundles>
// kernel: _embed.3.cloned.1.call-start
scs
__scs_entry_jumppad:
0x0: {  	(pc) =	sbr.rel $0x88, $3  }
0x1: {  	(tag) =	ssettag $0x0;
	lr =	simm.s32 $0x1  }
0x2: {  	[smem:$0x3F9F] =	sst lr;
	_ =	strace $0xD0000000  }
0x3: {  	_ = 	snop  }
0x4: {  	_ = 	snop  }
0x5: {  	_ = 	snop  }
0x6: {  	_ = 	snop  }
0x7: {  	_ = 	snop  }
__scs_overlays_trampoline_lowered:
0x8: {  	[smem:$0x3FAE] =	sst s0  }
0x9: {  	[smem:$0x3FAF] =	sst s1  }
0xa: {  	[smem:$0x3FB0] =	sst s2  }
0xb: {  	[smem:$0x3FB1] =	sst s3  }
0xc: {  	[smem:$0x3FB2] =	sst s4  }
0xd: {  	[smem:$0x3FB3] =	sst s5  }
0xe: {  	[smem:$0x3FB4] =	sst s6  }
0xf: {  	[smem:$0x3FB5] =	sst s7  }
0x10: {  	[smem:$0x3FB6] =	sst s8  }
0x11: {  	[smem:$0x3FB7] =	sst s9;
	s0 =	simm.s32 @!p0 $0x0  }
0x12: {  	s1 =	sld [smem:$0x3F9D];
	s0 =	simm.s32 @p0 $0x1  }
0x13: {  	[smem:$0x3FB8] =	sst s0;
	s0 =	simm.s32 @!p1 $0x0  }
0x14: {  	s2 =	sld [smem:$0x3F9C];
	s0 =	simm.s32 @p1 $0x1  }
0x15: {  	[smem:$0x3FB9] =	sst s0;
	s0 =	simm.s32 @!p2 $0x0  }
0x16: {  	s3 =	sld [smem:$0x3FDB];
	s0 =	simm.s32 @p2 $0x1  }
0x17: {  	s4 =	simm.s32 $0x1BF5;
	[smem:$0x3FBB] =	sst s0  }
0x18: {  	s0 =	sld [smem:$0x3F9E];
	_ =	swait.ge [sflag:s4], $0x0  }
0x19: {  	s7 =	sld [smem:$0x3F9F]  }
0x1a: {  	s8 =	sadd.s32 $0xFFFFE003, lr  }
0x1b: {  	s9 =	sadd.s32 $0xFFFFFEF7, lr;
	s5 =	simm.s32 $0xFFFFFFFF;
	p2 =	slt.u32 s8, $0xFFFFF086  }
0x1c: {  	p1 =	slt.u32 s9, $0xF7A;
	s5 =	simm.s32 @!p2 $0x0  }
0x1d: {  	s5 =	simm.s32 @p1 $0x1;
	p0 =	seq.s32 s7, s2  }
0x1e: {  	s7 =	smul.u32 @!p0 $0xF7A, s2;
	p2 =	seq.s32 @!p0 s5, $0x0  }
0x1f: {  	s9 =	smul.u32 $0xF7A, s1;
	s8 =	simm.s32 @!p0 $0x1BF5;
	p2 =	por !p2, p0  }
0x20: {  	[sflag:s8] =	ssyncset.s32 @!p0 $0xFFFFF086;
	s6 =	sadd.s32 @!p0 s3, s7;
	s7 =	simm.s32 @!p0 $0x108  }
0x21: {  	s3 =	sadd.s32 s3, s9;
	s6 =	sadd.s32 @!p0 $0x88, s6;
	s7 =	simm.s32 @p2 $0x1082  }
0x22: {  	[simem:s7], [sflag:s8] =	dma.local @!p0 [hbm:s6], $0xF7A  }
0x23: {  	s9 =	sor.u32 $0xD0000000, s2;
	s6 =	simm.s32 $0x108;
	_ =	swait.ge @!p0 [sflag:s8], $0x0  }
0x24: {  	s3 =	sadd.s32 $0x88, s3;
	s6 =	simm.s32 @!p1 $0x1082;
	[sflag:s4] =	ssyncset.s32 $0xFFFFF086  }
0x25: {  	[simem:s6], [sflag:s4] =	dma.local [hbm:s3], $0xF7A  }
0x26: {  	[smem:$0x3F9F] =	sst s1;
	(tag) =	ssettag s2;
	_ =	strace s9  }
0x27: {  	s1 =	sld [smem:$0x3FAF]  }
0x28: {  	s2 =	sld [smem:$0x3FB0]  }
0x29: {  	s4 =	sld [smem:$0x3FB2]  }
0x2a: {  	p0 =	seq.s32 s5, $0x0;
	s5 =	sld [smem:$0x3FB3]  }
0x2b: {  	s6 =	sld [smem:$0x3FB4]  }
0x2c: {  	s7 =	sld [smem:$0x3FB5]  }
0x2d: {  	s3 =	simm.s32 $0x108;
	s8 =	sld [smem:$0x3FB6]  }
0x2e: {  	s3 =	simm.s32 @!p0 $0x1082;
	s9 =	sld [smem:$0x3FB7]  }
0x2f: {  	lr =	sadd.s32 s0, s3;
	s0 =	sld [smem:$0x3FAE]  }
0x30: {  	s3 =	sld [smem:$0x3FB1]  }
0x31: {  	[smem:$0x3FBA] =	sst s10  }
0x32: {  	s10 =	sld [smem:$0x3FB8];
	_ =	sdelay $0x3  }
0x33: {  	p0 =	seq.s32 s10, $0x1;
	s10 =	sld [smem:$0x3FBA];
	_ =	sdelay $0x3  }
0x34: {  	[smem:$0x3FBA] =	sst s10  }
0x35: {  	s10 =	sld [smem:$0x3FB9];
	_ =	sdelay $0x3  }
0x36: {  	p1 =	seq.s32 s10, $0x1;
	s10 =	sld [smem:$0x3FBA];
	_ =	sdelay $0x3  }
0x37: {  	[smem:$0x3FBA] =	sst s10  }
0x38: {  	s10 =	sld [smem:$0x3FBB]  }
0x39: {  	_ = 	snop;
	(pc) =	sbr.ind lr, $3  }
0x3a: {  	_ = 	snop  }
0x3b: {  	_ = 	snop  }
0x3c: {  	p2 =	seq.s32 s10, $0x1;
	s10 =	sld [smem:$0x3FBA]  }
0x3d: {  	_ =	shalt  }
0x3e: {  	_ =	shalt  }
0x3f: {  	_ =	shalt  }
0x40: {  	_ =	shalt  }
0x41: {  	_ =	shalt  }
0x42: {  	_ =	shalt  }
0x43: {  	_ =	shalt  }
0x44: {  	_ =	shalt  }
0x45: {  	_ =	shalt  }
0x46: {  	_ =	shalt  }
0x47: {  	_ =	shalt  }
0x48: {  	_ =	shalt  }
0x49: {  	_ =	shalt  }
0x4a: {  	_ =	shalt  }
0x4b: {  	_ =	shalt  }
0x4c: {  	_ =	shalt  }
0x4d: {  	_ =	shalt  }
0x4e: {  	_ =	shalt  }
0x4f: {  	_ =	shalt  }
0x50: {  	_ =	shalt  }
0x51: {  	_ =	shalt  }
0x52: {  	_ =	shalt  }
0x53: {  	_ =	shalt  }
0x54: {  	_ =	shalt  }
0x55: {  	_ =	shalt  }
0x56: {  	_ =	shalt  }
0x57: {  	_ =	shalt  }
0x58: {  	_ =	shalt  }
0x59: {  	_ =	shalt  }
0x5a: {  	_ =	shalt  }
0x5b: {  	_ =	shalt  }
0x5c: {  	_ =	shalt  }
0x5d: {  	_ =	shalt  }
0x5e: {  	_ =	shalt  }
0x5f: {  	_ =	shalt  }
0x60: {  	_ =	shalt  }
0x61: {  	_ =	shalt  }
0x62: {  	_ =	shalt  }
0x63: {  	_ =	shalt  }
0x64: {  	_ =	shalt  }
0x65: {  	_ =	shalt  }
0x66: {  	_ =	shalt  }
0x67: {  	_ =	shalt  }
0x68: {  	_ =	shalt  }
0x69: {  	_ =	shalt  }
0x6a: {  	_ =	shalt  }
0x6b: {  	_ =	shalt  }
0x6c: {  	_ =	shalt  }
0x6d: {  	_ =	shalt  }
0x6e: {  	_ =	shalt  }
0x6f: {  	_ =	shalt  }
0x70: {  	_ =	shalt  }
0x71: {  	_ =	shalt  }
0x72: {  	_ =	shalt  }
0x73: {  	_ =	shalt  }
0x74: {  	_ =	shalt  }
0x75: {  	_ =	shalt  }
0x76: {  	_ =	shalt  }
0x77: {  	_ =	shalt  }
0x78: {  	_ =	shalt  }
0x79: {  	_ =	shalt  }
0x7a: {  	_ =	shalt  }
0x7b: {  	_ =	shalt  }
0x7c: {  	_ =	shalt  }
0x7d: {  	_ =	shalt  }
0x7e: {  	_ =	shalt  }
0x7f: {  	_ =	shalt  }
0x80: {  	_ =	shalt  }
0x81: {  	_ =	shalt  }
0x82: {  	_ =	shalt  }
0x83: {  	_ =	shalt  }
0x84: {  	_ =	shalt  }
0x85: {  	_ =	shalt  }
0x86: {  	_ =	shalt  }
0x87: {  	_ =	shalt  }
.Lfunc_end0:
.L_simem_size_0:
called_computation_lowered:
.L_overlay_start_0:
0x88: {  	s2 =	sld [smem:$0x3FD9]  }
0x89: {  	s3 =	sld [smem:$0x3FFE];
	_ =	sdelay $0x1  }
0x8a: {  	s1 =	srdreg.scid  }
0x8b: {  	s0 =	sand.u32 $0x1, s1  }
0x8c: {  	s18 =	sshll.u32 s0, $0xA;
	s2 =	sadd.s32 s3, s2  }
0x8d: {  	s2 =	sadd.s32 s2, s18  }
0x8e: {  	[smem:$0x3FC6] =	sst s2  }
0x8f: {  	_ = 	snop  }
0x90: {  	s2 =	sld [smem:$0x3FC9]  }
0x91: {  	s19 =	sld [smem:$0x3FC8]  }
0x92: {  	s4 =	sld [smem:$0x3FD0];
	(tm) =	ssettm $0x1  }
0x93: {  	s5 =	sld [smem:$0x3FFB];
	_ =	sdelay $0x3  }
0x94: {  	_ =	strace s5  }
0x95: {  	s5 =	sld [smem:$0x3FFC];
	_ =	sdelay $0x3  }
0x96: {  	_ =	strace s5  }
0x97: {  	s5 =	sld [smem:$0x3FFD];
	_ =	sdelay $0x3  }
0x98: {  	_ =	strace s5  }
0x99: {  	_ =	strace $0x8FFFFFFF  }
0x9a: {  	s20 =	sld [smem:$0x3FDB];
	_ =	sdelay $0x1  }
0x9b: {  	s6 =	simm.s32 $_scs_section_size  }
0x9c: {  	s7 =	simm.s32 $_size__tile_overlayer_lowered;
	s8 =	simm.s32 $_tile_overlayer_lowered  }
0x9d: {  	s23 =	simm.s32 $0x1BFF;
	s22 =	sshll.u32 s8, $0x1;
	s5 =	sadd.s32 s6, s20  }
0x9e: {  	s9 =	simm.s32 $0x0;
	s21 =	sshll.u32 s7, $0x1;
	s7 =	sadd.s32 s22, s5  }
0x9f: {  	[timem:s9], [sflag:s23] =	dma.local [hbm:s7], s21  }
0xa0: {  	_ =	swait.ge [sflag:s23], s21  }
0xa1: {  	s6 =	ssub.s32 $0x0, s21;
	[sflag:s23] =	ssyncset.done $0x0  }
0xa2: {  	[sflag:s23] =	ssyncadd.s32 s6;
	_ =	sdelay $0x1  }
0xa3: {  	s24 =	simm.s32 $0x1B8B  }
0xa4: {  	_ =	swait.ge [sflag:s24], $0x1  }
0xa5: {  	[sflag:s24] =	ssyncset.done $0x0  }
0xa6: {  	s25 =	simm.s32 $0x1B8E;
	[sflag:s24] =	ssyncadd.s32 $0xFFFFFFFF  }
0xa7: {  	s26 =	simm.s32 $execute0_lowered;
	[smem:$0x3FD2] =	sst s25  }
0xa8: {  	s6 =	sshll.u32 s26, $0x1;
	_ =	strace $0x80000046;
	[dreg:$0x1] =	wrdreg $0xFFFFFFFF  }
0xa9: {  	s28 =	simm.s32 $_size_execute0_lowered;
	s5 =	sadd.s32 s5, s6;
	[dreg:$0x0] =	wrdreg $0x0  }
0xaa: {  	s6 =	sshll.u32 s28, $0x1;
	[dreg:$0x2] =	wrdreg s5  }
0xab: {  	[dreg:$0x3] =	wrdreg s6  }
0xac: {  	[dreg:$0x4] =	wrdreg $0xC0  }
0xad: {  	_ =	task [dreg:s9], $0x5FFFF  }
0xae: {  	[dreg:$0x1] =	wrdreg $0xFFFFFFFF  }
0xaf: {  	[dreg:$0x0] =	wrdreg $0x60  }
0xb0: {  	[dreg:$0x2] =	wrdreg s2  }
0xb1: {  	[dreg:$0x3] =	wrdreg s19  }
0xb2: {  	[dreg:$0x4] =	wrdreg s4  }
0xb3: {  	[dreg:$0x5] =	wrdreg $0x9  }
0xb4: {  	_ =	task.clear_ibuf [dreg:s9], $0x6FFFF;
	_ =	strace $0x90000046  }
0xb5: {  	s29 =	simm.s32 $0x9;
	_ =	strace $0x80000048  }
0xb6: {  	_ =	swait.ge [sflag:s29], $0x1  }
0xb7: {  	[sflag:s29] =	ssyncadd.s32 $0xFFFFFFFF  }
0xb8: {  	_ =	strace $0x90000048  }
0xb9: {  	_ =	sfence  }
0xba: {  	s30 =	sld [smem:$0x0];
	_ =	sdelay $0x2  }
0xbb: {  	s31 =	sshll.u32 s1, $0xD;
	s1 =	sshrl.u32 s1, $0x2  }
0xbc: {  	s3 =	sand.u32 $0x4000, s31;
	s1 =	sadd.s32 s1, s30  }
0xbd: {  	s0 =	sor.u32 s3, s0;
	s1 =	sshll.u32 s1, $0x11  }
0xbe: {  	s0 =	sor.u32 s1, s0  }
0xbf: {  	s0 =	sadd.s32 $0x8F2B, s0  }
0xc0: {  	[sflag:s0] =	ssyncadd.remote.s32 $0x1  }
0xc1: {  	_ =	sfence.sel $0xFFFF  }
0xc2: {  	[dreg:$0x0] =	wrdreg $0xFFFFFFFF;
	(pc) =	sbr.abs _section_cstart, $3  }
0xc3: {  	[dreg:$0x1] =	wrdreg $0xFFFFFFFF  }
0xc4: {  	_ =	task.clear_ibuf [dreg:s9], $0x2FFFF;
	_ =	strace $0x9FFFFFFF  }
0xc5: {  	(tm) =	ssettm $0x7FFFFFFF  }
tec
execute0_lowered:
.L_overlay_start_1:
0x0: {  	(tag) =	ssettag $0x1  }
0x1: {  	s0 =	rddreg [dreg:$0x0]  }
0x2: {  	s2 =	rddreg [dreg:$0x1]  }
0x3: {  	s1 =	rddreg [dreg:$0x2];
	s3 =	simm.s32 $0x0  }
0x4: {  	s4 =	srdreg.scid;
	s31 =	simm.s32 $0x80;
	[smem:$0x7FF] =	sst s3  }
0x5: {  	s9 =	simm.s32 $0x14100;
	_ =	strace $0x80000047;
	[dreg:$0xc] =	wrdreg s31  }
0x6: {  	s6 =	stileid.u32;
	s10 =	simm.s32 $0x14900;
	[dreg:$0x11] =	wrdreg s9  }
0x7: {  	s11 =	simm.s32 $0x15100;
	s12 =	simm.s32 $0x15900;
	[dreg:$0x12] =	wrdreg s10  }
0x8: {  	s13 =	simm.s32 $0x16100;
	s14 =	simm.s32 $0x16900;
	[dreg:$0x13] =	wrdreg s11  }
0x9: {  	s15 =	simm.s32 $0x17100;
	s16 =	simm.s32 $0x17900;
	[dreg:$0x14] =	wrdreg s12  }
0xa: {  	s17 =	simm.s32 $0x18900;
	s18 =	simm.s32 $0x19100;
	[dreg:$0x15] =	wrdreg s13  }
0xb: {  	s28 =	simm.s32 $0x4;
	s29 =	simm.s32 $0x8900;
	[dreg:$0x16] =	wrdreg s14  }
0xc: {  	s30 =	simm.s32 $0x9100;
	s4 =	sand.u32 $0x1, s4;
	[dreg:$0x17] =	wrdreg s15  }
0xd: {  	s5 =	sshll.u32 s6, $0x1;
	s6 =	sshll.u32 s6, $0x2;
	[dreg:$0x18] =	wrdreg s16  }
0xe: {  	s5 =	sor.u32 s4, s5;
	s6 =	sand.u32 $0x30, s6;
	[dreg:$0x19] =	wrdreg s17  }
0xf: {  	[dreg:$0x1a] =	wrdreg s18;
	s31 =	simm.s32 $0x1D900;
	s9 =	simm.s32 $0x2  }
0x10: {  	s10 =	simm.s32 $0x1100;
	s11 =	simm.s32 $0x1900;
	s12 =	simm.s32 $0x2100  }
0x11: {  	s7 =	sshll.u32 s5, $0x7;
	s8 =	smul.u32 $0x6000, s5;
	s0 =	sadd.s32 s0, s6  }
0x12: {  	s6 =	simm.s32 $0x12900;
	[smem:$0x7FD] =	sst s31;
	s7 =	sand.u32 $0x380, s7  }
0x13: {  	s13 =	simm.s32 $0x2900;
	[dreg:$0xe] =	wrdreg s6;
	s0 =	sadd.s32 s7, s0  }
0x14: {  	s14 =	simm.s32 $0x3100;
	s19 =	sadd.s32 s1, s8;
	[dreg:$0x4] =	wrdreg s0  }
0x15: {  	s15 =	simm.s32 $0x3900;
	s7 =	simm.s32 $0x13100;
	[smem:$0x7F9] =	sst s19  }
0x16: {  	s5 =	smul.u32 $0x30000, s5;
	s8 =	simm.s32 $0x13900;
	[dreg:$0xf] =	wrdreg s7  }
0x17: {  	s16 =	simm.s32 $0x4100;
	s20 =	sadd.s32 $0xC00, s19;
	[dreg:$0x10] =	wrdreg s8  }
0x18: {  	s5 =	sshrl.u32 s5, $0x3;
	s21 =	sadd.s32 $0x1800, s19;
	[dreg:$0x5] =	wrdreg s20  }
0x19: {  	s1 =	sadd.s32 s1, s5;
	s19 =	simm.s32 $0x19900;
	[dreg:$0x6] =	wrdreg s21  }
0x1a: {  	s17 =	simm.s32 $0x4900;
	s22 =	sadd.s32 $0x2400, s1;
	[dreg:$0x1b] =	wrdreg s19  }
0x1b: {  	s18 =	simm.s32 $0x5100;
	s23 =	sadd.s32 $0x3000, s1;
	[dreg:$0x7] =	wrdreg s22  }
0x1c: {  	s6 =	sadd.s32 $0x200, s2;
	s24 =	sadd.s32 $0x3C00, s1;
	[dreg:$0x8] =	wrdreg s23  }
0x1d: {  	s5 =	ssub.s32 $0x2, s4;
	s25 =	sadd.s32 $0x4800, s1;
	[dreg:$0x9] =	wrdreg s24  }
0x1e: {  	s8 =	simm.s32 $0x18100;
	s26 =	sadd.s32 $0x5400, s1;
	[dreg:$0xa] =	wrdreg s25  }
0x1f: {  	s1 =	simm.s32 $0x200;
	s4 =	sshrl.u32 s5, $0x1;
	[dreg:$0xb] =	wrdreg s26  }
0x20: {  	s20 =	simm.s32 $0x1A100;
	s21 =	simm.s32 $0x1A900;
	[dreg:$0xd] =	wrdreg s1  }
0x21: {  	s19 =	simm.s32 $0x5900;
	s1 =	ssub.s32 s5, s4;
	[dreg:$0x1c] =	wrdreg s20  }
0x22: {  	s5 =	sadd.s32 $0x100, s2;
	[dreg:$0x1d] =	wrdreg s21;
	s22 =	simm.s32 $0x1B100  }
0x23: {  	s23 =	simm.s32 $0x1B900;
	s24 =	simm.s32 $0x1C100;
	[dreg:$0x1e] =	wrdreg s22  }
0x24: {  	s25 =	simm.s32 $0x1C900;
	s26 =	simm.s32 $0x1D100;
	[dreg:$0x1f] =	wrdreg s23  }
0x25: {  	s21 =	simm.s32 $0x100;
	s4 =	simm.s32 $0x6100;
	[smem:$0x7FA] =	sst s24  }
0x26: {  	v2 =	vlaneseq.u32;
	s20 =	simm.s32 $0x6900;
	s7 =	smax.u32 s1, $0x1;
	[smem:$0x7FB] =	sst s25  }
0x27: {  	vm0 =	vmmov $0xffff;
	v1 =	vshrl.u32 v2, $0x3;
	[smem:$0x7FC] =	sst s26;
	s23 =	simm.s32 $0x1;
	s26 =	simm.s32 $0x3  }
0x28: {  	v0 =	vand.u32 $0x7, v2;
	v2 =	vor.u32 $0x8, v2;
	v1 =	vmul.u32 $0x8, v1;
	s22 =	simm.s32 $0x7100;
	s24 =	simm.s32 $0x7900;
	s25 =	simm.s32 $0xC100  }
.LBB2_1:
0x29: {  	s31 =	rddreg [dreg:$0x4]  }
0x2a: {  	s0 =	rddreg [dreg:$0xc]  }
0x2b: {  	s1 =	rddreg [dreg:$0xd]  }
0x2c: {  	[tilespmem:s3], [sflag:$0x7] =	stream.strided.gather [hbm4b:s31+s0], $0x100, s1, s0, $0x38;
	[tilespmem:$0x1E100] =	vst v63  }
0x2d: {  	s31 =	simm.s32 $0x7  }
0x2e: {  	_ =	swait.ge [sflag:s31], $0x100  }
0x2f: {  	[sflag:s31] =	ssyncset.done $0x0  }
0x30: {  	[sflag:s31] =	ssyncadd.s32 $0xFFFFFF00  }
0x31: {  	v3 =	vld [tilespmem:$0x0];
	_ =	sdelay $0x4  }
0x32: {  	v4 =	vshrl.u32 v3, $0x3  }
0x33: {  	v4 =	vmul.u32 $0x30, v4  }
0x34: {  	v3 =	vand.u32 $0x7, v3  }
0x35: {  	v3 =	vor.u32 v3, v4  }
0x36: {  	v4 =	vperm.xlane v3, v0;
	_ =	sdelay $0x1  }
0x37: {  	v4 =	vadd.s32 v1, v4;
	_ =	sdelay $0x3  }
0x38: {  	v3 =	vperm.xlane v3, v2  }
0x39: {  	[tilespmem:s21], [sflag:$0x1] =	stream.indirect_vreg.gather [hbm4b:s2+s3], $0x80, v4, vm0, $0xb8;
	[tilespmem:$0x1E100] =	vst v63  }
0x3a: {  	s31 =	simm.s32 $0x900;
	v3 =	vadd.s32 v1, v3  }
0x3b: {  	[tilespmem:s31], [sflag:$0x1] =	stream.indirect_vreg.gather [hbm4b:s5+s3], $0x80, v4, vm0, $0xb8;
	[tilespmem:$0x1E100] =	vst v63  }
0x3c: {  	_ = 	snop  }
0x3d: {  	[tilespmem:s10], [sflag:$0x1] =	stream.indirect_vreg.gather [hbm4b:s6+s3], $0x80, v4, vm0, $0xb8;
	[tilespmem:$0x1E100] =	vst v63  }
0x3e: {  	_ = 	snop  }
0x3f: {  	[tilespmem:s11], [sflag:$0x1] =	stream.indirect_vreg.gather [hbm4b:s2+s3], $0x80, v3, vm0, $0xb8;
	[tilespmem:$0x1E100] =	vst v63  }
0x40: {  	_ = 	snop  }
0x41: {  	[tilespmem:s12], [sflag:$0x1] =	stream.indirect_vreg.gather [hbm4b:s5+s3], $0x80, v3, vm0, $0xb8;
	[tilespmem:$0x1E100] =	vst v63  }
0x42: {  	_ = 	snop  }
0x43: {  	[tilespmem:s13], [sflag:$0x1] =	stream.indirect_vreg.gather [hbm4b:s6+s3], $0x80, v3, vm0, $0xb8;
	[tilespmem:$0x1E100] =	vst v63  }
0x44: {  	v3 =	vld [tilespmem:$0x10];
	_ =	sdelay $0x4  }
0x45: {  	v49 =	vshrl.u32 v3, $0x3  }
0x46: {  	v4 =	vmul.u32 $0x30, v49  }
0x47: {  	v3 =	vand.u32 $0x7, v3  }
0x48: {  	v3 =	vor.u32 v3, v4  }
0x49: {  	v4 =	vperm.xlane v3, v0;
	_ =	sdelay $0x1  }
0x4a: {  	v4 =	vadd.s32 v1, v4;
	_ =	sdelay $0x3  }
0x4b: {  	v3 =	vperm.xlane v3, v2  }
0x4c: {  	[tilespmem:s14], [sflag:$0x1] =	stream.indirect_vreg.gather [hbm4b:s2+s3], $0x80, v4, vm0, $0xb8;
	[tilespmem:$0x1E100] =	vst v63  }
0x4d: {  	v3 =	vadd.s32 v1, v3  }
0x4e: {  	[tilespmem:s15], [sflag:$0x1] =	stream.indirect_vreg.gather [hbm4b:s5+s3], $0x80, v4, vm0, $0xb8;
	[tilespmem:$0x1E100] =	vst v63  }
0x4f: {  	_ = 	snop  }
0x50: {  	[tilespmem:s16], [sflag:$0x1] =	stream.indirect_vreg.gather [hbm4b:s6+s3], $0x80, v4, vm0, $0xb8;
	[tilespmem:$0x1E100] =	vst v63  }
0x51: {  	_ = 	snop  }
0x52: {  	[tilespmem:s17], [sflag:$0x1] =	stream.indirect_vreg.gather [hbm4b:s2+s3], $0x80, v3, vm0, $0xb8;
	[tilespmem:$0x1E100] =	vst v63  }
0x53: {  	_ = 	snop  }
0x54: {  	[tilespmem:s18], [sflag:$0x1] =	stream.indirect_vreg.gather [hbm4b:s5+s3], $0x80, v3, vm0, $0xb8;
	[tilespmem:$0x1E100] =	vst v63  }
0x55: {  	_ = 	snop  }
0x56: {  	[tilespmem:s19], [sflag:$0x1] =	stream.indirect_vreg.gather [hbm4b:s6+s3], $0x80, v3, vm0, $0xb8;
	[tilespmem:$0x1E100] =	vst v63  }
0x57: {  	v3 =	vld [tilespmem:$0x20];
	_ =	sdelay $0x4  }
0x58: {  	v50 =	vshrl.u32 v3, $0x3  }
0x59: {  	v4 =	vmul.u32 $0x30, v50  }
0x5a: {  	v3 =	vand.u32 $0x7, v3  }
0x5b: {  	v3 =	vor.u32 v3, v4  }
0x5c: {  	v4 =	vperm.xlane v3, v0;
	_ =	sdelay $0x1  }
0x5d: {  	v4 =	vadd.s32 v1, v4;
	_ =	sdelay $0x3  }
0x5e: {  	v3 =	vperm.xlane v3, v2  }
0x5f: {  	[tilespmem:s4], [sflag:$0x1] =	stream.indirect_vreg.gather [hbm4b:s2+s3], $0x80, v4, vm0, $0xb8;
	[tilespmem:$0x1E100] =	vst v63  }
0x60: {  	v3 =	vadd.s32 v1, v3  }
0x61: {  	[tilespmem:s20], [sflag:$0x1] =	stream.indirect_vreg.gather [hbm4b:s5+s3], $0x80, v4, vm0, $0xb8;
	[tilespmem:$0x1E100] =	vst v63  }
0x62: {  	_ = 	snop  }
0x63: {  	[tilespmem:s22], [sflag:$0x1] =	stream.indirect_vreg.gather [hbm4b:s6+s3], $0x80, v4, vm0, $0xb8;
	[tilespmem:$0x1E100] =	vst v63  }
0x64: {  	_ = 	snop  }
0x65: {  	[tilespmem:s24], [sflag:$0x1] =	stream.indirect_vreg.gather [hbm4b:s2+s3], $0x80, v3, vm0, $0xb8;
	[tilespmem:$0x1E100] =	vst v63  }
0x66: {  	s1 =	simm.s32 $0x8100  }
0x67: {  	[tilespmem:s1], [sflag:$0x1] =	stream.indirect_vreg.gather [hbm4b:s5+s3], $0x80, v3, vm0, $0xb8;
	[tilespmem:$0x1E100] =	vst v63  }
0x68: {  	_ = 	snop  }
0x69: {  	[tilespmem:s29], [sflag:$0x1] =	stream.indirect_vreg.gather [hbm4b:s6+s3], $0x80, v3, vm0, $0xb8;
	[tilespmem:$0x1E100] =	vst v63  }
0x6a: {  	v3 =	vld [tilespmem:$0x30];
	_ =	sdelay $0x4  }
0x6b: {  	v51 =	vshrl.u32 v3, $0x3  }
0x6c: {  	v4 =	vmul.u32 $0x30, v51  }
0x6d: {  	v3 =	vand.u32 $0x7, v3  }
0x6e: {  	v3 =	vor.u32 v3, v4  }
0x6f: {  	v4 =	vperm.xlane v3, v0;
	_ =	sdelay $0x1  }
0x70: {  	v4 =	vadd.s32 v1, v4;
	_ =	sdelay $0x3  }
0x71: {  	v3 =	vperm.xlane v3, v2  }
0x72: {  	[tilespmem:s30], [sflag:$0x1] =	stream.indirect_vreg.gather [hbm4b:s2+s3], $0x80, v4, vm0, $0xb8;
	[tilespmem:$0x1E100] =	vst v63  }
0x73: {  	s1 =	simm.s32 $0x9900;
	v3 =	vadd.s32 v1, v3  }
0x74: {  	[tilespmem:s1], [sflag:$0x1] =	stream.indirect_vreg.gather [hbm4b:s5+s3], $0x80, v4, vm0, $0xb8;
	[tilespmem:$0x1E100] =	vst v63  }
0x75: {  	s1 =	simm.s32 $0xA100  }
0x76: {  	[tilespmem:s1], [sflag:$0x1] =	stream.indirect_vreg.gather [hbm4b:s6+s3], $0x80, v4, vm0, $0xb8;
	[tilespmem:$0x1E100] =	vst v63  }
0x77: {  	s1 =	simm.s32 $0xA900  }
0x78: {  	[tilespmem:s1], [sflag:$0x1] =	stream.indirect_vreg.gather [hbm4b:s2+s3], $0x80, v3, vm0, $0xb8;
	[tilespmem:$0x1E100] =	vst v63  }
0x79: {  	s1 =	simm.s32 $0xB100  }
0x7a: {  	[tilespmem:s1], [sflag:$0x1] =	stream.indirect_vreg.gather [hbm4b:s5+s3], $0x80, v3, vm0, $0xb8;
	[tilespmem:$0x1E100] =	vst v63  }
0x7b: {  	s1 =	simm.s32 $0xB900  }
0x7c: {  	[tilespmem:s1], [sflag:$0x1] =	stream.indirect_vreg.gather [hbm4b:s6+s3], $0x80, v3, vm0, $0xb8;
	[tilespmem:$0x1E100] =	vst v63  }
0x7d: {  	v3 =	vld [tilespmem:$0x40];
	_ =	sdelay $0x4  }
0x7e: {  	v52 =	vshrl.u32 v3, $0x3  }
0x7f: {  	v4 =	vmul.u32 $0x30, v52  }
0x80: {  	v3 =	vand.u32 $0x7, v3  }
0x81: {  	v3 =	vor.u32 v3, v4  }
0x82: {  	v4 =	vperm.xlane v3, v0;
	_ =	sdelay $0x1  }
0x83: {  	v4 =	vadd.s32 v1, v4;
	_ =	sdelay $0x3  }
0x84: {  	v3 =	vperm.xlane v3, v2  }
0x85: {  	[tilespmem:s25], [sflag:$0x1] =	stream.indirect_vreg.gather [hbm4b:s2+s3], $0x80, v4, vm0, $0xb8;
	[tilespmem:$0x1E100] =	vst v63  }
0x86: {  	s1 =	simm.s32 $0xC900;
	v3 =	vadd.s32 v1, v3  }
0x87: {  	[tilespmem:s1], [sflag:$0x1] =	stream.indirect_vreg.gather [hbm4b:s5+s3], $0x80, v4, vm0, $0xb8;
	[tilespmem:$0x1E100] =	vst v63  }
0x88: {  	s1 =	simm.s32 $0xD100  }
0x89: {  	[tilespmem:s1], [sflag:$0x1] =	stream.indirect_vreg.gather [hbm4b:s6+s3], $0x80, v4, vm0, $0xb8;
	[tilespmem:$0x1E100] =	vst v63  }
0x8a: {  	s1 =	simm.s32 $0xD900  }
0x8b: {  	[tilespmem:s1], [sflag:$0x1] =	stream.indirect_vreg.gather [hbm4b:s2+s3], $0x80, v3, vm0, $0xb8;
	[tilespmem:$0x1E100] =	vst v63  }
0x8c: {  	s1 =	simm.s32 $0xE100  }
0x8d: {  	[tilespmem:s1], [sflag:$0x1] =	stream.indirect_vreg.gather [hbm4b:s5+s3], $0x80, v3, vm0, $0xb8;
	[tilespmem:$0x1E100] =	vst v63  }
0x8e: {  	s1 =	simm.s32 $0xE900  }
0x8f: {  	[tilespmem:s1], [sflag:$0x1] =	stream.indirect_vreg.gather [hbm4b:s6+s3], $0x80, v3, vm0, $0xb8;
	[tilespmem:$0x1E100] =	vst v63  }
0x90: {  	v3 =	vld [tilespmem:$0x50];
	_ =	sdelay $0x4  }
0x91: {  	v53 =	vshrl.u32 v3, $0x3  }
0x92: {  	v4 =	vmul.u32 $0x30, v53  }
0x93: {  	v3 =	vand.u32 $0x7, v3  }
0x94: {  	v3 =	vor.u32 v3, v4  }
0x95: {  	v4 =	vperm.xlane v3, v0;
	_ =	sdelay $0x1  }
0x96: {  	v4 =	vadd.s32 v1, v4;
	_ =	sdelay $0x3  }
0x97: {  	s1 =	simm.s32 $0xF100;
	v3 =	vperm.xlane v3, v2  }
0x98: {  	[tilespmem:s1], [sflag:$0x1] =	stream.indirect_vreg.gather [hbm4b:s2+s3], $0x80, v4, vm0, $0xb8;
	[tilespmem:$0x1E100] =	vst v63  }
0x99: {  	v3 =	vadd.s32 v1, v3;
	s1 =	simm.s32 $0xF900  }
0x9a: {  	[tilespmem:s1], [sflag:$0x1] =	stream.indirect_vreg.gather [hbm4b:s5+s3], $0x80, v4, vm0, $0xb8;
	[tilespmem:$0x1E100] =	vst v63  }
0x9b: {  	s1 =	simm.s32 $0x10100  }
0x9c: {  	[tilespmem:s1], [sflag:$0x1] =	stream.indirect_vreg.gather [hbm4b:s6+s3], $0x80, v4, vm0, $0xb8;
	[tilespmem:$0x1E100] =	vst v63  }
0x9d: {  	s1 =	simm.s32 $0x10900  }
0x9e: {  	[tilespmem:s1], [sflag:$0x1] =	stream.indirect_vreg.gather [hbm4b:s2+s3], $0x80, v3, vm0, $0xb8;
	[tilespmem:$0x1E100] =	vst v63  }
0x9f: {  	s1 =	simm.s32 $0x11100  }
0xa0: {  	[tilespmem:s1], [sflag:$0x1] =	stream.indirect_vreg.gather [hbm4b:s5+s3], $0x80, v3, vm0, $0xb8;
	[tilespmem:$0x1E100] =	vst v63  }
0xa1: {  	s1 =	simm.s32 $0x11900  }
0xa2: {  	[tilespmem:s1], [sflag:$0x1] =	stream.indirect_vreg.gather [hbm4b:s6+s3], $0x80, v3, vm0, $0xb8;
	[tilespmem:$0x1E100] =	vst v63  }
0xa3: {  	v3 =	vld [tilespmem:$0x60];
	_ =	sdelay $0x4  }
0xa4: {  	v54 =	vshrl.u32 v3, $0x3  }
0xa5: {  	v4 =	vmul.u32 $0x30, v54  }
0xa6: {  	v3 =	vand.u32 $0x7, v3  }
0xa7: {  	v3 =	vor.u32 v3, v4  }
0xa8: {  	v4 =	vperm.xlane v3, v0;
	_ =	sdelay $0x1  }
0xa9: {  	v4 =	vadd.s32 v1, v4;
	_ =	sdelay $0x3  }
0xaa: {  	s1 =	simm.s32 $0x12100;
	v3 =	vperm.xlane v3, v2  }
0xab: {  	[tilespmem:s1], [sflag:$0x1] =	stream.indirect_vreg.gather [hbm4b:s2+s3], $0x80, v4, vm0, $0xb8;
	[tilespmem:$0x1E100] =	vst v63  }
0xac: {  	s0 =	rddreg [dreg:$0xe];
	v3 =	vadd.s32 v1, v3  }
0xad: {  	[tilespmem:s0], [sflag:$0x1] =	stream.indirect_vreg.gather [hbm4b:s5+s3], $0x80, v4, vm0, $0xb8;
	[tilespmem:$0x1E100] =	vst v63  }
0xae: {  	s1 =	rddreg [dreg:$0xf]  }
0xaf: {  	[tilespmem:s1], [sflag:$0x1] =	stream.indirect_vreg.gather [hbm4b:s6+s3], $0x80, v4, vm0, $0xb8;
	[tilespmem:$0x1E100] =	vst v63  }
0xb0: {  	s0 =	rddreg [dreg:$0x10]  }
0xb1: {  	[tilespmem:s0], [sflag:$0x1] =	stream.indirect_vreg.gather [hbm4b:s2+s3], $0x80, v3, vm0, $0xb8;
	[tilespmem:$0x1E100] =	vst v63  }
0xb2: {  	s1 =	rddreg [dreg:$0x11]  }
0xb3: {  	[tilespmem:s1], [sflag:$0x1] =	stream.indirect_vreg.gather [hbm4b:s5+s3], $0x80, v3, vm0, $0xb8;
	[tilespmem:$0x1E100] =	vst v63  }
0xb4: {  	s0 =	rddreg [dreg:$0x12]  }
0xb5: {  	[tilespmem:s0], [sflag:$0x1] =	stream.indirect_vreg.gather [hbm4b:s6+s3], $0x80, v3, vm0, $0xb8;
	[tilespmem:$0x1E100] =	vst v63  }
0xb6: {  	v3 =	vld [tilespmem:$0x70];
	_ =	sdelay $0x4  }
0xb7: {  	v55 =	vshrl.u32 v3, $0x3  }
0xb8: {  	v4 =	vmul.u32 $0x30, v55  }
0xb9: {  	v3 =	vand.u32 $0x7, v3  }
0xba: {  	v3 =	vor.u32 v3, v4  }
0xbb: {  	v4 =	vperm.xlane v3, v0;
	_ =	sdelay $0x1  }
0xbc: {  	v4 =	vadd.s32 v1, v4;
	_ =	sdelay $0x3  }
0xbd: {  	s0 =	rddreg [dreg:$0x13];
	v3 =	vperm.xlane v3, v2  }
0xbe: {  	[tilespmem:s0], [sflag:$0x1] =	stream.indirect_vreg.gather [hbm4b:s2+s3], $0x80, v4, vm0, $0xb8;
	[tilespmem:$0x1E100] =	vst v63  }
0xbf: {  	s1 =	rddreg [dreg:$0x14];
	v3 =	vadd.s32 v1, v3  }
0xc0: {  	[tilespmem:s1], [sflag:$0x1] =	stream.indirect_vreg.gather [hbm4b:s5+s3], $0x80, v4, vm0, $0xb8;
	[tilespmem:$0x1E100] =	vst v63  }
0xc1: {  	s0 =	rddreg [dreg:$0x15]  }
0xc2: {  	[tilespmem:s0], [sflag:$0x1] =	stream.indirect_vreg.gather [hbm4b:s6+s3], $0x80, v4, vm0, $0xb8;
	[tilespmem:$0x1E100] =	vst v63  }
0xc3: {  	s1 =	rddreg [dreg:$0x16]  }
0xc4: {  	[tilespmem:s1], [sflag:$0x1] =	stream.indirect_vreg.gather [hbm4b:s2+s3], $0x80, v3, vm0, $0xb8;
	[tilespmem:$0x1E100] =	vst v63  }
0xc5: {  	s0 =	rddreg [dreg:$0x17]  }
0xc6: {  	[tilespmem:s0], [sflag:$0x1] =	stream.indirect_vreg.gather [hbm4b:s5+s3], $0x80, v3, vm0, $0xb8;
	[tilespmem:$0x1E100] =	vst v63  }
0xc7: {  	s1 =	rddreg [dreg:$0x18]  }
0xc8: {  	[tilespmem:s1], [sflag:$0x1] =	stream.indirect_vreg.gather [hbm4b:s6+s3], $0x80, v3, vm0, $0xb8;
	[tilespmem:$0x1E100] =	vst v63  }
0xc9: {  	_ =	swait.ge [sflag:s23], $0x6000  }
0xca: {  	[sflag:s23] =	ssyncset.done $0x0  }
0xcb: {  	[sflag:s23] =	ssyncadd.s32 $0xFFFFA000  }
0xcc: {  	v3 =	vld [tilespmem:$0x80];
	_ =	sdelay $0x4  }
0xcd: {  	v56 =	vshrl.u32 v3, $0x3  }
0xce: {  	v4 =	vmul.u32 $0x30, v56  }
0xcf: {  	v3 =	vand.u32 $0x7, v3  }
0xd0: {  	v3 =	vor.u32 v3, v4  }
0xd1: {  	v4 =	vperm.xlane v3, v0;
	_ =	sdelay $0x1  }
0xd2: {  	v4 =	vadd.s32 v1, v4;
	_ =	sdelay $0x3  }
0xd3: {  	v3 =	vperm.xlane v3, v2  }
0xd4: {  	[tilespmem:s8], [sflag:$0x1] =	stream.indirect_vreg.gather [hbm4b:s2+s3], $0x80, v4, vm0, $0xb8;
	[tilespmem:$0x1E100] =	vst v63  }
0xd5: {  	s0 =	rddreg [dreg:$0x19];
	v3 =	vadd.s32 v1, v3  }
0xd6: {  	[tilespmem:s0], [sflag:$0x1] =	stream.indirect_vreg.gather [hbm4b:s5+s3], $0x80, v4, vm0, $0xb8;
	[tilespmem:$0x1E100] =	vst v63  }
0xd7: {  	s1 =	rddreg [dreg:$0x1a]  }
0xd8: {  	[tilespmem:s1], [sflag:$0x1] =	stream.indirect_vreg.gather [hbm4b:s6+s3], $0x80, v4, vm0, $0xb8;
	[tilespmem:$0x1E100] =	vst v63  }
0xd9: {  	s0 =	rddreg [dreg:$0x1b]  }
0xda: {  	[tilespmem:s0], [sflag:$0x1] =	stream.indirect_vreg.gather [hbm4b:s2+s3], $0x80, v3, vm0, $0xb8;
	[tilespmem:$0x1E100] =	vst v63  }
0xdb: {  	s1 =	rddreg [dreg:$0x1c]  }
0xdc: {  	[tilespmem:s1], [sflag:$0x1] =	stream.indirect_vreg.gather [hbm4b:s5+s3], $0x80, v3, vm0, $0xb8;
	[tilespmem:$0x1E100] =	vst v63  }
0xdd: {  	s0 =	rddreg [dreg:$0x1d]  }
0xde: {  	[tilespmem:s0], [sflag:$0x1] =	stream.indirect_vreg.gather [hbm4b:s6+s3], $0x80, v3, vm0, $0xb8;
	[tilespmem:$0x1E100] =	vst v63  }
0xdf: {  	v3 =	vld [tilespmem:$0x90];
	_ =	sdelay $0x4  }
0xe0: {  	v57 =	vshrl.u32 v3, $0x3  }
0xe1: {  	v4 =	vmul.u32 $0x30, v57  }
0xe2: {  	v3 =	vand.u32 $0x7, v3  }
0xe3: {  	v3 =	vor.u32 v3, v4  }
0xe4: {  	v4 =	vperm.xlane v3, v0;
	_ =	sdelay $0x1  }
0xe5: {  	v4 =	vadd.s32 v1, v4;
	_ =	sdelay $0x2  }
0xe6: {  	s1 =	rddreg [dreg:$0x1f]  }
0xe7: {  	s0 =	rddreg [dreg:$0x1e];
	v3 =	vperm.xlane v3, v2  }
0xe8: {  	[tilespmem:s0], [sflag:$0x1] =	stream.indirect_vreg.gather [hbm4b:s2+s3], $0x80, v4, vm0, $0xb8;
	[tilespmem:$0x1E100] =	vst v63  }
0xe9: {  	v3 =	vadd.s32 v1, v3;
	s0 =	sld [smem:$0x7FA]  }
0xea: {  	[tilespmem:s1], [sflag:$0x1] =	stream.indirect_vreg.gather [hbm4b:s5+s3], $0x80, v4, vm0, $0xb8;
	[tilespmem:$0x1E100] =	vst v63  }
0xeb: {  	s1 =	sld [smem:$0x7FB]  }
0xec: {  	[tilespmem:s0], [sflag:$0x1] =	stream.indirect_vreg.gather [hbm4b:s6+s3], $0x80, v4, vm0, $0xb8;
	[tilespmem:$0x1E100] =	vst v63  }
0xed: {  	s0 =	sld [smem:$0x7FC]  }
0xee: {  	[tilespmem:s1], [sflag:$0x1] =	stream.indirect_vreg.gather [hbm4b:s2+s3], $0x80, v3, vm0, $0xb8;
	[tilespmem:$0x1E100] =	vst v63  }
0xef: {  	s1 =	sld [smem:$0x7FD]  }
0xf0: {  	[tilespmem:s0], [sflag:$0x1] =	stream.indirect_vreg.gather [hbm4b:s5+s3], $0x80, v3, vm0, $0xb8;
	[tilespmem:$0x1E100] =	vst v63  }
0xf1: {  	_ = 	snop  }
0xf2: {  	[tilespmem:s1], [sflag:$0x1] =	stream.indirect_vreg.gather [hbm4b:s6+s3], $0x80, v3, vm0, $0xb8;
	[tilespmem:$0x1E100] =	vst v63  }
0xf3: {  	s1 =	sld [smem:$0x7F9];
	_ =	sdelay $0x2  }
0xf4: {  	[hbm4b:s1+s3] =	stream.linear.scatter [tilespmem:s21], [sflag:$0x2], $0x6000, $0x38;
	[tilespmem:$0x1E100] =	vst v63  }
0xf5: {  	_ =	swait.ge [sflag:s23], $0x6000  }
0xf6: {  	[sflag:s23] =	ssyncset.done $0x0  }
0xf7: {  	[sflag:s23] =	ssyncadd.s32 $0xFFFFA000  }
0xf8: {  	_ =	swait.ge [sflag:s9], $0x6000  }
0xf9: {  	[sflag:s9] =	ssyncset.done $0x0  }
0xfa: {  	[sflag:s9] =	ssyncadd.s32 $0xFFFFA000  }
0xfb: {  	v3 =	vld [tilespmem:$0xA0];
	_ =	sdelay $0x4  }
0xfc: {  	v58 =	vshrl.u32 v3, $0x3  }
0xfd: {  	v4 =	vmul.u32 $0x30, v58  }
0xfe: {  	v3 =	vand.u32 $0x7, v3  }
0xff: {  	v3 =	vor.u32 v3, v4  }
0x100: {  	v4 =	vperm.xlane v3, v0;
	_ =	sdelay $0x1  }
0x101: {  	v4 =	vadd.s32 v1, v4;
	_ =	sdelay $0x3  }
0x102: {  	v3 =	vperm.xlane v3, v2  }
0x103: {  	[tilespmem:s21], [sflag:$0x1] =	stream.indirect_vreg.gather [hbm4b:s2+s3], $0x80, v4, vm0, $0xb8;
	[tilespmem:$0x1E100] =	vst v63  }
0x104: {  	v3 =	vadd.s32 v1, v3  }
0x105: {  	[tilespmem:s31], [sflag:$0x1] =	stream.indirect_vreg.gather [hbm4b:s5+s3], $0x80, v4, vm0, $0xb8;
	[tilespmem:$0x1E100] =	vst v63  }
0x106: {  	_ = 	snop  }
0x107: {  	[tilespmem:s10], [sflag:$0x1] =	stream.indirect_vreg.gather [hbm4b:s6+s3], $0x80, v4, vm0, $0xb8;
	[tilespmem:$0x1E100] =	vst v63  }
0x108: {  	_ = 	snop  }
0x109: {  	[tilespmem:s11], [sflag:$0x1] =	stream.indirect_vreg.gather [hbm4b:s2+s3], $0x80, v3, vm0, $0xb8;
	[tilespmem:$0x1E100] =	vst v63  }
0x10a: {  	_ = 	snop  }
0x10b: {  	[tilespmem:s12], [sflag:$0x1] =	stream.indirect_vreg.gather [hbm4b:s5+s3], $0x80, v3, vm0, $0xb8;
	[tilespmem:$0x1E100] =	vst v63  }
0x10c: {  	_ = 	snop  }
0x10d: {  	[tilespmem:s13], [sflag:$0x1] =	stream.indirect_vreg.gather [hbm4b:s6+s3], $0x80, v3, vm0, $0xb8;
	[tilespmem:$0x1E100] =	vst v63  }
0x10e: {  	v3 =	vld [tilespmem:$0xB0];
	_ =	sdelay $0x4  }
0x10f: {  	v59 =	vshrl.u32 v3, $0x3  }
0x110: {  	v4 =	vmul.u32 $0x30, v59  }
0x111: {  	v3 =	vand.u32 $0x7, v3  }
0x112: {  	v3 =	vor.u32 v3, v4  }
0x113: {  	v4 =	vperm.xlane v3, v0;
	_ =	sdelay $0x1  }
0x114: {  	v4 =	vadd.s32 v1, v4;
	_ =	sdelay $0x3  }
0x115: {  	v3 =	vperm.xlane v3, v2  }
0x116: {  	[tilespmem:s14], [sflag:$0x1] =	stream.indirect_vreg.gather [hbm4b:s2+s3], $0x80, v4, vm0, $0xb8;
	[tilespmem:$0x1E100] =	vst v63  }
0x117: {  	v3 =	vadd.s32 v1, v3  }
0x118: {  	[tilespmem:s15], [sflag:$0x1] =	stream.indirect_vreg.gather [hbm4b:s5+s3], $0x80, v4, vm0, $0xb8;
	[tilespmem:$0x1E100] =	vst v63  }
0x119: {  	_ = 	snop  }
0x11a: {  	[tilespmem:s16], [sflag:$0x1] =	stream.indirect_vreg.gather [hbm4b:s6+s3], $0x80, v4, vm0, $0xb8;
	[tilespmem:$0x1E100] =	vst v63  }
0x11b: {  	_ = 	snop  }
0x11c: {  	[tilespmem:s17], [sflag:$0x1] =	stream.indirect_vreg.gather [hbm4b:s2+s3], $0x80, v3, vm0, $0xb8;
	[tilespmem:$0x1E100] =	vst v63  }
0x11d: {  	_ = 	snop  }
0x11e: {  	[tilespmem:s18], [sflag:$0x1] =	stream.indirect_vreg.gather [hbm4b:s5+s3], $0x80, v3, vm0, $0xb8;
	[tilespmem:$0x1E100] =	vst v63  }
0x11f: {  	_ = 	snop  }
0x120: {  	[tilespmem:s19], [sflag:$0x1] =	stream.indirect_vreg.gather [hbm4b:s6+s3], $0x80, v3, vm0, $0xb8;
	[tilespmem:$0x1E100] =	vst v63  }
0x121: {  	s31 =	rddreg [dreg:$0x5]  }
0x122: {  	[hbm4b:s31+s3] =	stream.linear.scatter [tilespmem:s4], [sflag:$0x3], $0x6000, $0x38;
	[tilespmem:$0x1E100] =	vst v63  }
0x123: {  	_ =	swait.ge [sflag:s23], $0x6000  }
0x124: {  	[sflag:s23] =	ssyncset.done $0x0  }
0x125: {  	[sflag:s23] =	ssyncadd.s32 $0xFFFFA000  }
0x126: {  	_ =	swait.ge [sflag:s26], $0x6000  }
0x127: {  	[sflag:s26] =	ssyncset.done $0x0  }
0x128: {  	[sflag:s26] =	ssyncadd.s32 $0xFFFFA000  }
0x129: {  	v3 =	vld [tilespmem:$0xC0];
	_ =	sdelay $0x4  }
0x12a: {  	v60 =	vshrl.u32 v3, $0x3  }
0x12b: {  	v4 =	vmul.u32 $0x30, v60  }
0x12c: {  	v3 =	vand.u32 $0x7, v3  }
0x12d: {  	v3 =	vor.u32 v3, v4  }
0x12e: {  	v4 =	vperm.xlane v3, v0;
	_ =	sdelay $0x1  }
0x12f: {  	v4 =	vadd.s32 v1, v4;
	_ =	sdelay $0x3  }
0x130: {  	v3 =	vperm.xlane v3, v2  }
0x131: {  	[tilespmem:s4], [sflag:$0x1] =	stream.indirect_vreg.gather [hbm4b:s2+s3], $0x80, v4, vm0, $0xb8;
	[tilespmem:$0x1E100] =	vst v63  }
0x132: {  	v3 =	vadd.s32 v1, v3  }
0x133: {  	[tilespmem:s20], [sflag:$0x1] =	stream.indirect_vreg.gather [hbm4b:s5+s3], $0x80, v4, vm0, $0xb8;
	[tilespmem:$0x1E100] =	vst v63  }
0x134: {  	_ = 	snop  }
0x135: {  	[tilespmem:s22], [sflag:$0x1] =	stream.indirect_vreg.gather [hbm4b:s6+s3], $0x80, v4, vm0, $0xb8;
	[tilespmem:$0x1E100] =	vst v63  }
0x136: {  	_ = 	snop  }
0x137: {  	[tilespmem:s24], [sflag:$0x1] =	stream.indirect_vreg.gather [hbm4b:s2+s3], $0x80, v3, vm0, $0xb8;
	[tilespmem:$0x1E100] =	vst v63  }
0x138: {  	s1 =	simm.s32 $0x8100  }
0x139: {  	[tilespmem:s1], [sflag:$0x1] =	stream.indirect_vreg.gather [hbm4b:s5+s3], $0x80, v3, vm0, $0xb8;
	[tilespmem:$0x1E100] =	vst v63  }
0x13a: {  	_ = 	snop  }
0x13b: {  	[tilespmem:s29], [sflag:$0x1] =	stream.indirect_vreg.gather [hbm4b:s6+s3], $0x80, v3, vm0, $0xb8;
	[tilespmem:$0x1E100] =	vst v63  }
0x13c: {  	v3 =	vld [tilespmem:$0xD0];
	_ =	sdelay $0x4  }
0x13d: {  	v61 =	vshrl.u32 v3, $0x3  }
0x13e: {  	v4 =	vmul.u32 $0x30, v61  }
0x13f: {  	v3 =	vand.u32 $0x7, v3  }
0x140: {  	v3 =	vor.u32 v3, v4  }
0x141: {  	v4 =	vperm.xlane v3, v0;
	_ =	sdelay $0x1  }
0x142: {  	v4 =	vadd.s32 v1, v4;
	_ =	sdelay $0x3  }
0x143: {  	v3 =	vperm.xlane v3, v2  }
0x144: {  	[tilespmem:s30], [sflag:$0x1] =	stream.indirect_vreg.gather [hbm4b:s2+s3], $0x80, v4, vm0, $0xb8;
	[tilespmem:$0x1E100] =	vst v63  }
0x145: {  	s31 =	simm.s32 $0x9900;
	v3 =	vadd.s32 v1, v3  }
0x146: {  	[tilespmem:s31], [sflag:$0x1] =	stream.indirect_vreg.gather [hbm4b:s5+s3], $0x80, v4, vm0, $0xb8;
	[tilespmem:$0x1E100] =	vst v63  }
0x147: {  	s1 =	simm.s32 $0xA100  }
0x148: {  	[tilespmem:s1], [sflag:$0x1] =	stream.indirect_vreg.gather [hbm4b:s6+s3], $0x80, v4, vm0, $0xb8;
	[tilespmem:$0x1E100] =	vst v63  }
0x149: {  	s31 =	simm.s32 $0xA900  }
0x14a: {  	[tilespmem:s31], [sflag:$0x1] =	stream.indirect_vreg.gather [hbm4b:s2+s3], $0x80, v3, vm0, $0xb8;
	[tilespmem:$0x1E100] =	vst v63  }
0x14b: {  	s1 =	simm.s32 $0xB100  }
0x14c: {  	[tilespmem:s1], [sflag:$0x1] =	stream.indirect_vreg.gather [hbm4b:s5+s3], $0x80, v3, vm0, $0xb8;
	[tilespmem:$0x1E100] =	vst v63  }
0x14d: {  	s31 =	simm.s32 $0xB900  }
0x14e: {  	[tilespmem:s31], [sflag:$0x1] =	stream.indirect_vreg.gather [hbm4b:s6+s3], $0x80, v3, vm0, $0xb8;
	[tilespmem:$0x1E100] =	vst v63  }
0x14f: {  	s0 =	rddreg [dreg:$0x6]  }
0x150: {  	[hbm4b:s0+s3] =	stream.linear.scatter [tilespmem:s25], [sflag:$0x4], $0x6000, $0x38;
	[tilespmem:$0x1E100] =	vst v63  }
0x151: {  	_ =	swait.ge [sflag:s23], $0x6000  }
0x152: {  	[sflag:s23] =	ssyncset.done $0x0  }
0x153: {  	[sflag:s23] =	ssyncadd.s32 $0xFFFFA000  }
0x154: {  	_ =	swait.ge [sflag:s28], $0x6000  }
0x155: {  	[sflag:s28] =	ssyncset.done $0x0  }
0x156: {  	[sflag:s28] =	ssyncadd.s32 $0xFFFFA000  }
0x157: {  	v3 =	vld [tilespmem:$0xE0];
	_ =	sdelay $0x4  }
0x158: {  	v62 =	vshrl.u32 v3, $0x3  }
0x159: {  	v4 =	vmul.u32 $0x30, v62  }
0x15a: {  	v3 =	vand.u32 $0x7, v3  }
0x15b: {  	v3 =	vor.u32 v3, v4  }
0x15c: {  	v4 =	vperm.xlane v3, v0;
	_ =	sdelay $0x1  }
0x15d: {  	v4 =	vadd.s32 v1, v4;
	_ =	sdelay $0x3  }
0x15e: {  	v3 =	vperm.xlane v3, v2  }
0x15f: {  	[tilespmem:s25], [sflag:$0x1] =	stream.indirect_vreg.gather [hbm4b:s2+s3], $0x80, v4, vm0, $0xb8;
	[tilespmem:$0x1E100] =	vst v63  }
0x160: {  	s31 =	simm.s32 $0xC900;
	v3 =	vadd.s32 v1, v3  }
0x161: {  	[tilespmem:s31], [sflag:$0x1] =	stream.indirect_vreg.gather [hbm4b:s5+s3], $0x80, v4, vm0, $0xb8;
	[tilespmem:$0x1E100] =	vst v63  }
0x162: {  	s1 =	simm.s32 $0xD100  }
0x163: {  	[tilespmem:s1], [sflag:$0x1] =	stream.indirect_vreg.gather [hbm4b:s6+s3], $0x80, v4, vm0, $0xb8;
	[tilespmem:$0x1E100] =	vst v63  }
0x164: {  	s31 =	simm.s32 $0xD900  }
0x165: {  	[tilespmem:s31], [sflag:$0x1] =	stream.indirect_vreg.gather [hbm4b:s2+s3], $0x80, v3, vm0, $0xb8;
	[tilespmem:$0x1E100] =	vst v63  }
0x166: {  	s1 =	simm.s32 $0xE100  }
0x167: {  	[tilespmem:s1], [sflag:$0x1] =	stream.indirect_vreg.gather [hbm4b:s5+s3], $0x80, v3, vm0, $0xb8;
	[tilespmem:$0x1E100] =	vst v63  }
0x168: {  	s31 =	simm.s32 $0xE900  }
0x169: {  	[tilespmem:s31], [sflag:$0x1] =	stream.indirect_vreg.gather [hbm4b:s6+s3], $0x80, v3, vm0, $0xb8;
	[tilespmem:$0x1E100] =	vst v63  }
0x16a: {  	v3 =	vld [tilespmem:$0xF0];
	_ =	sdelay $0x4  }
0x16b: {  	v63 =	vshrl.u32 v3, $0x3  }
0x16c: {  	v4 =	vmul.u32 $0x30, v63  }
0x16d: {  	v3 =	vand.u32 $0x7, v3  }
0x16e: {  	v3 =	vor.u32 v3, v4  }
0x16f: {  	v4 =	vperm.xlane v3, v0;
	_ =	sdelay $0x1  }
0x170: {  	v4 =	vadd.s32 v1, v4;
	_ =	sdelay $0x3  }
0x171: {  	s1 =	simm.s32 $0xF100;
	v3 =	vperm.xlane v3, v2  }
0x172: {  	[tilespmem:s1], [sflag:$0x1] =	stream.indirect_vreg.gather [hbm4b:s2+s3], $0x80, v4, vm0, $0xb8;
	[tilespmem:$0x1E100] =	vst v63  }
0x173: {  	s31 =	simm.s32 $0xF900;
	v3 =	vadd.s32 v1, v3  }
0x174: {  	[tilespmem:s31], [sflag:$0x1] =	stream.indirect_vreg.gather [hbm4b:s5+s3], $0x80, v4, vm0, $0xb8;
	[tilespmem:$0x1E100] =	vst v63  }
0x175: {  	s1 =	simm.s32 $0x10100  }
0x176: {  	[tilespmem:s1], [sflag:$0x1] =	stream.indirect_vreg.gather [hbm4b:s6+s3], $0x80, v4, vm0, $0xb8;
	[tilespmem:$0x1E100] =	vst v63  }
0x177: {  	s31 =	simm.s32 $0x10900  }
0x178: {  	[tilespmem:s31], [sflag:$0x1] =	stream.indirect_vreg.gather [hbm4b:s2+s3], $0x80, v3, vm0, $0xb8;
	[tilespmem:$0x1E100] =	vst v63  }
0x179: {  	s1 =	simm.s32 $0x11100  }
0x17a: {  	[tilespmem:s1], [sflag:$0x1] =	stream.indirect_vreg.gather [hbm4b:s5+s3], $0x80, v3, vm0, $0xb8;
	[tilespmem:$0x1E100] =	vst v63  }
0x17b: {  	s31 =	simm.s32 $0x11900  }
0x17c: {  	[tilespmem:s31], [sflag:$0x1] =	stream.indirect_vreg.gather [hbm4b:s6+s3], $0x80, v3, vm0, $0xb8;
	[tilespmem:$0x1E100] =	vst v63  }
0x17d: {  	s0 =	rddreg [dreg:$0x7];
	s31 =	simm.s32 $0x12100  }
0x17e: {  	[hbm4b:s0+s3] =	stream.linear.scatter [tilespmem:s31], [sflag:$0x5], $0x6000, $0x38;
	[tilespmem:$0x1E100] =	vst v63  }
0x17f: {  	_ =	swait.ge [sflag:s23], $0x6000  }
0x180: {  	[sflag:s23] =	ssyncset.done $0x0  }
0x181: {  	s1 =	rddreg [dreg:$0x8];
	[sflag:s23] =	ssyncadd.s32 $0xFFFFA000  }
0x182: {  	[hbm4b:s1+s3] =	stream.linear.scatter [tilespmem:s8], [sflag:$0x6], $0x6000, $0x38;
	[tilespmem:$0x1E100] =	vst v63  }
0x183: {  	_ =	swait.ge [sflag:s23], $0x6000  }
0x184: {  	[sflag:s23] =	ssyncset.done $0x0  }
0x185: {  	s31 =	rddreg [dreg:$0x9];
	[sflag:s23] =	ssyncadd.s32 $0xFFFFA000  }
0x186: {  	[hbm4b:s31+s3] =	stream.linear.scatter [tilespmem:s21], [sflag:$0x2], $0x6000, $0x38;
	[tilespmem:$0x1E100] =	vst v63  }
0x187: {  	_ =	swait.ge [sflag:s23], $0x6000  }
0x188: {  	[sflag:s23] =	ssyncset.done $0x0  }
0x189: {  	s1 =	rddreg [dreg:$0xa];
	[sflag:s23] =	ssyncadd.s32 $0xFFFFA000  }
0x18a: {  	[hbm4b:s1+s3] =	stream.linear.scatter [tilespmem:s4], [sflag:$0x3], $0x6000, $0x38;
	[tilespmem:$0x1E100] =	vst v63  }
0x18b: {  	_ =	swait.ge [sflag:s23], $0x6000  }
0x18c: {  	[sflag:s23] =	ssyncset.done $0x0  }
0x18d: {  	s1 =	simm.s32 $0x5;
	s31 =	rddreg [dreg:$0xb];
	[sflag:s23] =	ssyncadd.s32 $0xFFFFA000  }
0x18e: {  	[hbm4b:s31+s3] =	stream.linear.scatter [tilespmem:s25], [sflag:$0x4], $0x6000, $0x38;
	[tilespmem:$0x1E100] =	vst v63  }
0x18f: {  	_ =	swait.ge [sflag:s1], $0x6000  }
0x190: {  	[sflag:s1] =	ssyncset.done $0x0  }
0x191: {  	s31 =	simm.s32 $0x6;
	[sflag:s1] =	ssyncadd.s32 $0xFFFFA000  }
0x192: {  	_ =	swait.ge [sflag:s31], $0x6000  }
0x193: {  	[sflag:s31] =	ssyncset.done $0x0  }
0x194: {  	[sflag:s31] =	ssyncadd.s32 $0xFFFFA000  }
0x195: {  	_ =	swait.ge [sflag:s9], $0x6000  }
0x196: {  	[sflag:s9] =	ssyncset.done $0x0  }
0x197: {  	[sflag:s9] =	ssyncadd.s32 $0xFFFFA000  }
0x198: {  	p0 =	sne.s32 s7, $0x1;
	_ =	swait.ge [sflag:s26], $0x6000  }
.Ltmp0:
0x199: {  	[sflag:s26] =	ssyncset.done $0x0;
	(pc) =	sbr.rel @p0 .LBB2_1-.Ltmp0, $4  }
0x19a: {  	[sflag:s26] =	ssyncadd.s32 $0xFFFFA000  }
0x19b: {  	_ =	swait.ge [sflag:s28], $0x6000  }
0x19c: {  	[sflag:s28] =	ssyncset.done $0x0  }
0x19d: {  	s7 =	sadd.s32 $0xFFFFFFFF, s7;
	[sflag:s28] =	ssyncadd.s32 $0xFFFFA000  }
0x19e: {  	_ =	sfence.sel $0x180000  }
0x19f: {  	[bflag:$0x0] =	sbarrier.arrive $0xFFFF  }
0x1a0: {  	_ =	strace $0x90000047  }
0x1a1: {  	s0 =	stileid.u32;
	[bflag:$0x2] =	sbarrier.arrive $0xFFFF  }
0x1a2: {  	p0 =	sne.s32 s0, $0x0;
	s0 =	rddreg [dreg:$0x3]  }
0x1a3: {  	s0 =	sadd.s32 @!p0 $0x100000, s0  }
0x1a4: {  	[sflag:s0] =	ssyncadd.tile.s32 @!p0 $0x1;
	_ =	shalt  }
.Lfunc_end2:
_tile_overlayer_lowered:
.L_overlay_start_2:
0x1a5: {  	(tag) =	ssettag $0x2  }
0x1a6: {  	s0 =	rddreg [dreg:$0x0];
	s2 =	stileid.u32  }
0x1a7: {  	s1 =	rddreg [dreg:$0x1];
	p0 =	sne.s32 s2, $0x0  }
0x1a8: {  	s3 =	rddreg [dreg:$0x2];
	[bflag:$0x3] =	sbarrier.arrive $0xFFFF;
	s2 =	simm.s32 @!p0 $0x1C07  }
0x1a9: {  	[timem:s3], [sflag:s2] =	dma.local @!p0 [hbm:s0], s1  }
0x1aa: {  	s0 =	simm.s32 @!p0 $0x7  }
0x1ab: {  	_ =	swait.ge @!p0 [sflag:s0], s1  }
0x1ac: {  	s1 =	ssub.s32 @!p0 $0x0, s1;
	[sflag:s0] =	ssyncset.done @!p0 $0x0  }
0x1ad: {  	[sflag:s0] =	ssyncadd.s32 @!p0 s1  }
0x1ae: {  	[bflag:$0x3] =	sbarrier.arrive $0xFFFF  }
0x1af: {  	_ =	shalt  }

</sc_bundles>
